<compile_context>
chip_gen: v7x
topology: tpu7x:2x2x1
jax: 0.10.2.dev20260603
libtpu: 0.0.44.dev20260713+nightly
codegen_flags: <defaults>
</compile_context>

<pallas_src>
import jax
import jax.numpy as jnp
from jax import lax
from jax.experimental import pallas as pl
from jax.experimental.pallas import tpu as pltpu
from jax.experimental.pallas import tpu_sc as plsc

N_NODES_C = 10000
N_EDGES_C = 320000
D_C = 128
DH = D_C // 2

NC = 2
NS = 16
EPT = N_EDGES_C // NS
CHUNK = 256
NFULL = EPT // CHUNK
NPAIR = NFULL // 2
NPAIR_C0 = 20
TAIL = EPT - NFULL * CHUNK
N_PAD = 10000
ROWS_PER_TILE = N_PAD // NS
WB = 125
DEG_W = 16


def _sc_body(featv_hbm, src_hbm, dst_hbm, zsum_hbm, zdeg_hbm, ones_hbm,
             out_sum, out_deg,
             src_idx0, dst_idx0, rows0, src_idx1, dst_idx1, rows1,
             src_idx_t, dst_idx_t, rows_t, ones_v, zdeg_v,
             acc_sum, acc_deg,
             sem_g0, sem_g1, sem_s0, sem_s1, sem_d):
    c = lax.axis_index("c")
    s = lax.axis_index("s")

    pltpu.sync_copy(zsum_hbm, rows0.at[pl.ds(0, WB)])
    pltpu.sync_copy(zdeg_hbm, zdeg_v)
    pltpu.sync_copy(ones_hbm, ones_v)

    @pl.loop(0, ROWS_PER_TILE // WB)
    def _(j):
        r0 = s * ROWS_PER_TILE + j * WB
        pltpu.sync_copy(rows0.at[pl.ds(0, WB)], acc_sum.at[pl.ds(r0, WB)])
        pltpu.sync_copy(zdeg_v, acc_deg.at[pl.ds(r0, WB)])

    plsc.subcore_barrier()

    base0 = s * EPT

    @pl.loop(0, NPAIR)
    def _(j):
        ba = base0 + 2 * j * CHUNK
        bb = ba + CHUNK
        pltpu.sync_copy(src_hbm.at[pl.ds(ba, CHUNK)], src_idx0)
        pltpu.sync_copy(dst_hbm.at[pl.ds(ba, CHUNK)], dst_idx0)
        pltpu.sync_copy(src_hbm.at[pl.ds(bb, CHUNK)], src_idx1)
        pltpu.sync_copy(dst_hbm.at[pl.ds(bb, CHUNK)], dst_idx1)

        @pl.loop(0, CHUNK // 16)
        def _(k):
            v = src_idx0[pl.ds(k * 16, 16)]
            src_idx0[pl.ds(k * 16, 16)] = v + v + c
            w = src_idx1[pl.ds(k * 16, 16)]
            src_idx1[pl.ds(k * 16, 16)] = w + w + c

        g0 = pltpu.async_copy(featv_hbm.at[src_idx0], rows0, sem_g0)
        g1 = pltpu.async_copy(featv_hbm.at[src_idx1], rows1, sem_g1)

        @pl.when(jnp.logical_or(
            jnp.logical_and(c == 0, j < NPAIR_C0),
            jnp.logical_and(c == 1, j >= NPAIR_C0)))
        def _():
            pltpu.async_copy(ones_v, acc_deg.at[dst_idx0], sem_d,
                             add=True).wait()
            pltpu.async_copy(ones_v, acc_deg.at[dst_idx1], sem_d,
                             add=True).wait()

        g0.wait()
        s0 = pltpu.async_copy(rows0, acc_sum.at[dst_idx0], sem_s0, add=True)
        g1.wait()
        s1 = pltpu.async_copy(rows1, acc_sum.at[dst_idx1], sem_s1, add=True)
        s0.wait()
        s1.wait()

    tb = base0 + NFULL * CHUNK
    pltpu.sync_copy(src_hbm.at[pl.ds(tb, TAIL)], src_idx_t)
    pltpu.sync_copy(dst_hbm.at[pl.ds(tb, TAIL)], dst_idx_t)

    @pl.loop(0, TAIL // 16)
    def _(k):
        v = src_idx_t[pl.ds(k * 16, 16)]
        src_idx_t[pl.ds(k * 16, 16)] = v + v + c

    pltpu.async_copy(featv_hbm.at[src_idx_t], rows_t, sem_g0).wait()
    pltpu.sync_copy(rows_t, acc_sum.at[dst_idx_t], add=True)

    @pl.when(c == 1)
    def _():
        pltpu.sync_copy(ones_v.at[pl.ds(0, TAIL)], acc_deg.at[dst_idx_t],
                        add=True)

    plsc.subcore_barrier()

    @pl.loop(0, ROWS_PER_TILE // WB)
    def _(j):
        r0 = s * ROWS_PER_TILE + j * WB
        pltpu.sync_copy(acc_sum.at[pl.ds(r0, WB)], rows0.at[pl.ds(0, WB)])
        pltpu.sync_copy(rows0.at[pl.ds(0, WB)], out_sum.at[c, pl.ds(r0, WB)])
        pltpu.sync_copy(acc_deg.at[pl.ds(r0, WB)], zdeg_v)
        pltpu.sync_copy(zdeg_v, out_deg.at[c, pl.ds(r0, WB)])


@jax.jit
def _sc_aggregate(featv, src, dst, zsum, zdeg, ones):
    mesh = plsc.VectorSubcoreMesh(core_axis_name="c", subcore_axis_name="s")
    k = pl.kernel(
        _sc_body,
        out_type=(
            jax.ShapeDtypeStruct((NC, N_PAD, DH), jnp.float32),
            jax.ShapeDtypeStruct((NC, N_PAD, DEG_W), jnp.float32),
        ),
        mesh=mesh,
        scratch_types=[
            pltpu.VMEM((CHUNK,), jnp.int32),
            pltpu.VMEM((CHUNK,), jnp.int32),
            pltpu.VMEM((CHUNK, DH), jnp.float32),
            pltpu.VMEM((CHUNK,), jnp.int32),
            pltpu.VMEM((CHUNK,), jnp.int32),
            pltpu.VMEM((CHUNK, DH), jnp.float32),
            pltpu.VMEM((TAIL,), jnp.int32),
            pltpu.VMEM((TAIL,), jnp.int32),
            pltpu.VMEM((TAIL, DH), jnp.float32),
            pltpu.VMEM((CHUNK, DEG_W), jnp.float32),
            pltpu.VMEM((WB, DEG_W), jnp.float32),
            pltpu.VMEM_SHARED((N_PAD, DH), jnp.float32),
            pltpu.VMEM_SHARED((N_PAD, DEG_W), jnp.float32),
            pltpu.SemaphoreType.DMA,
            pltpu.SemaphoreType.DMA,
            pltpu.SemaphoreType.DMA,
            pltpu.SemaphoreType.DMA,
            pltpu.SemaphoreType.DMA,
        ],
        compiler_params=pltpu.CompilerParams(use_tc_tiling_on_sc=False),
    )
    return k(featv, src, dst, zsum, zdeg, ones)


def _tc_self_body(feat_ref, ws_ref, b_ref, out_ref):
    out_ref[...] = (
        jnp.dot(feat_ref[...], ws_ref[...], preferred_element_type=jnp.float32)
        + b_ref[...]
    )


def _tc_final_body(selfp_ref, sum_ref, deg_ref, wn_ref, out_ref):
    ssum = jnp.concatenate([sum_ref[0], sum_ref[1]], axis=1)
    deg = deg_ref[0][:, 0:1] + deg_ref[1][:, 0:1]
    h = ssum / jnp.maximum(deg, 1.0)
    out_ref[...] = selfp_ref[...] + jnp.dot(
        h, wn_ref[...], preferred_element_type=jnp.float32)


@jax.jit
def _tc_self(feat, W_self, b2d):
    rb = 2000
    grid = (N_NODES_C // rb,)
    return pl.pallas_call(
        _tc_self_body,
        grid=grid,
        in_specs=[
            pl.BlockSpec((rb, D_C), lambda i: (i, 0)),
            pl.BlockSpec((D_C, D_C), lambda i: (0, 0)),
            pl.BlockSpec((1, D_C), lambda i: (0, 0)),
        ],
        out_specs=pl.BlockSpec((rb, D_C), lambda i: (i, 0)),
        out_shape=jax.ShapeDtypeStruct((N_NODES_C, D_C), jnp.float32),
    )(feat, W_self, b2d)


@jax.jit
def _tc_final(selfp, part_sum, part_deg, W_neigh):
    rb = 2000
    grid = (N_NODES_C // rb,)
    return pl.pallas_call(
        _tc_final_body,
        grid=grid,
        in_specs=[
            pl.BlockSpec((rb, D_C), lambda i: (i, 0)),
            pl.BlockSpec((NC, rb, DH), lambda i: (0, i, 0)),
            pl.BlockSpec((NC, rb, DEG_W), lambda i: (0, i, 0)),
            pl.BlockSpec((D_C, D_C), lambda i: (0, 0)),
        ],
        out_specs=pl.BlockSpec((rb, D_C), lambda i: (i, 0)),
        out_shape=jax.ShapeDtypeStruct((N_NODES_C, D_C), jnp.float32),
    )(selfp, part_sum, part_deg, W_neigh)


def kernel(feat, edge_index, W_self, W_neigh, b_neigh):
    ei = edge_index.astype(jnp.int32)
    src = ei[0]
    dst = ei[1]
    featv = feat.reshape(2 * N_NODES_C, DH)
    zsum = jnp.zeros((WB, DH), jnp.float32)
    zdeg = jnp.zeros((WB, DEG_W), jnp.float32)
    ones = jnp.ones((CHUNK, DEG_W), jnp.float32)
    b2d = b_neigh.reshape(1, D_C)
    part_sum, part_deg = _sc_aggregate(featv, src, dst, zsum, zdeg, ones)
    selfp = _tc_self(feat, W_self, b2d)
    return _tc_final(selfp, part_sum, part_deg, W_neigh)

# --- scband reference (transcript-rebuilt; emitter-appended) ---
"""Pipeline reference for scband-sageconv-7945689498280 (READ-ONLY COPY).

The authoritative reference and input builder live on the scoring server;
editing this copy changes nothing except your own understanding.
"""

import jax, jax.numpy as jnp
import numpy as np

N_NODES = 10000
N_EDGES = 320000
D_IN = 128
D_OUT = 128

def setup_inputs(seed: int = 0) -> dict:
    key = jax.random.key(seed)
    k1, k2, k3, k4 = jax.random.split(key, 4)
    feat = jax.random.normal(k1, (N_NODES, D_IN), dtype=jnp.float32)
    edge_index = jax.random.randint(k2, (2, N_EDGES), 0, N_NODES, dtype=jnp.int64)
    scale_self = 1.0 / np.sqrt(D_IN)
    W_self = jax.random.normal(k3, (D_IN, D_OUT), dtype=jnp.float32) * scale_self
    W_neigh = jax.random.normal(k4, (D_IN, D_OUT), dtype=jnp.float32) * scale_self
    b_neigh = jnp.zeros((D_OUT,), dtype=jnp.float32)
    return {"feat": feat, "edge_index": edge_index, "W_self": W_self, "W_neigh": W_neigh, "b_neigh": b_neigh}

def reference(feat, edge_index, W_self, W_neigh, b_neigh):
    # DGL SAGEConv with mean aggregator:
    #   h_neigh[v] = mean_{u in N(v)} feat[u]   (0 for isolated dst nodes)
    #   rst = fc_self(feat) + fc_neigh(h_neigh)
    src = edge_index[0]
    dst = edge_index[1]
    msgs = jnp.take(feat, src, axis=0)                     # gather: copy_src('h','m')
    summed = jax.ops.segment_sum(msgs, dst, num_segments=N_NODES)  # scatter-add
    deg = jax.ops.segment_sum(jnp.ones((N_EDGES,), dtype=feat.dtype), dst, num_segments=N_NODES)
    h_neigh = summed / jnp.maximum(deg, 1.0)[:, None]      # mean('m','neigh')
    rst = feat @ W_self + (h_neigh @ W_neigh + b_neigh)
    return rst

if __name__ == "__main__":
    import jax
    _d = setup_inputs()
    print(jax.jit(kernel)(*tuple(_d.values())))

</pallas_src>

<mosaic_0001>
#map = affine_map<(d0, d1) -> (0, 0)>
#map1 = affine_map<(d0, d1) -> (0)>
#map2 = affine_map<(d0, d1) -> (0, 0, 0)>
module attributes {stable_mosaic.version = 14 : i64} {
  func.func @_sc_body(%arg0: i32, %arg1: i32, %arg2: memref<20000x64xf32, #tpu.memory_space<hbm>>, %arg3: memref<320000xi32, #tpu.memory_space<hbm>>, %arg4: memref<320000xi32, #tpu.memory_space<hbm>>, %arg5: memref<125x64xf32, #tpu.memory_space<hbm>>, %arg6: memref<125x16xf32, #tpu.memory_space<hbm>>, %arg7: memref<256x16xf32, #tpu.memory_space<hbm>>, %arg8: memref<2x10000x64xf32, #tpu.memory_space<hbm>>, %arg9: memref<2x10000x16xf32, #tpu.memory_space<hbm>>, %arg10: memref<256xi32, #tpu.memory_space<vmem>>, %arg11: memref<256xi32, #tpu.memory_space<vmem>>, %arg12: memref<256x64xf32, #tpu.memory_space<vmem>>, %arg13: memref<256xi32, #tpu.memory_space<vmem>>, %arg14: memref<256xi32, #tpu.memory_space<vmem>>, %arg15: memref<256x64xf32, #tpu.memory_space<vmem>>, %arg16: memref<32xi32, #tpu.memory_space<vmem>>, %arg17: memref<32xi32, #tpu.memory_space<vmem>>, %arg18: memref<32x64xf32, #tpu.memory_space<vmem>>, %arg19: memref<256x16xf32, #tpu.memory_space<vmem>>, %arg20: memref<125x16xf32, #tpu.memory_space<vmem>>, %arg21: memref<10000x64xf32, #tpu.memory_space<vmem_shared>>, %arg22: memref<10000x16xf32, #tpu.memory_space<vmem_shared>>, %arg23: memref<!tpu.dma_semaphore, #tpu.memory_space<semaphore_mem>>, %arg24: memref<!tpu.dma_semaphore, #tpu.memory_space<semaphore_mem>>, %arg25: memref<!tpu.dma_semaphore, #tpu.memory_space<semaphore_mem>>, %arg26: memref<!tpu.dma_semaphore, #tpu.memory_space<semaphore_mem>>, %arg27: memref<!tpu.dma_semaphore, #tpu.memory_space<semaphore_mem>>) attributes {dimension_semantics = [#tpu.dimension_semantics<core_parallel>, #tpu.dimension_semantics<subcore_parallel>], iteration_bounds = array<i64: 2, 16>, scalar_prefetch = 0 : i64, scratch_operands = 18 : i64, tpu.core_type = #tpu.core_type<sc_vector_subcore>, window_params = [{transform_indices = #map}, {transform_indices = #map1}, {transform_indices = #map1}, {transform_indices = #map}, {transform_indices = #map}, {transform_indices = #map}, {transform_indices = #map2}, {transform_indices = #map2}]} {
    "tpu.region"() ({
      %run_scoped3A = tpu.sem_alloc : memref<!tpu.dma_semaphore, #tpu.memory_space<semaphore_mem>>
      %dma_start3A_28 = arith.constant 0 : i32
      %dma_start3A_29 = arith.constant 0 : i32
      %dma_start3A_30 = tpu.memref_slice %arg12[%dma_start3A_28, %dma_start3A_29] : memref<256x64xf32, #tpu.memory_space<vmem>> -> memref<125x64xf32, #tpu.memory_space<vmem>>
      %dma_start3A_31 = arith.constant 0 : i32
      %dma_start3A_32 = arith.constant 0 : i32
      %dma_start3A_33 = tpu.memref_slice %arg12[%dma_start3A_31, %dma_start3A_32] : memref<256x64xf32, #tpu.memory_space<vmem>> -> memref<125x64xf32, #tpu.memory_space<vmem>>
      tpu.enqueue_dma source(%arg5 : memref<125x64xf32, #tpu.memory_space<hbm>>) target(%dma_start3A_33 : memref<125x64xf32, #tpu.memory_space<vmem>>) target_semaphore(%run_scoped3A : memref<!tpu.dma_semaphore, #tpu.memory_space<semaphore_mem>>)
      %dma_wait3A_34 = arith.constant 0 : i32
      %dma_wait3A_35 = arith.constant 0 : i32
      %dma_wait3A_36 = tpu.memref_slice %arg12[%dma_wait3A_34, %dma_wait3A_35] : memref<256x64xf32, #tpu.memory_space<vmem>> -> memref<125x64xf32, #tpu.memory_space<vmem>>
      %dma_wait3A_37 = arith.constant 0 : i32
      %dma_wait3A_38 = arith.constant 0 : i32
      %dma_wait3A_39 = tpu.memref_slice %arg12[%dma_wait3A_37, %dma_wait3A_38] : memref<256x64xf32, #tpu.memory_space<vmem>> -> memref<125x64xf32, #tpu.memory_space<vmem>>
      tpu.wait_dma2 semaphore(%run_scoped3A : memref<!tpu.dma_semaphore, #tpu.memory_space<semaphore_mem>>) src(%arg5 : memref<125x64xf32, #tpu.memory_space<hbm>>) dst(%dma_wait3A_39 : memref<125x64xf32, #tpu.memory_space<vmem>>)
      tpu.yield
    }) : () -> ()
    "tpu.region"() ({
      %run_scoped3A = tpu.sem_alloc : memref<!tpu.dma_semaphore, #tpu.memory_space<semaphore_mem>>
      tpu.enqueue_dma source(%arg6 : memref<125x16xf32, #tpu.memory_space<hbm>>) target(%arg20 : memref<125x16xf32, #tpu.memory_space<vmem>>) target_semaphore(%run_scoped3A : memref<!tpu.dma_semaphore, #tpu.memory_space<semaphore_mem>>)
      tpu.wait_dma2 semaphore(%run_scoped3A : memref<!tpu.dma_semaphore, #tpu.memory_space<semaphore_mem>>) src(%arg6 : memref<125x16xf32, #tpu.memory_space<hbm>>) dst(%arg20 : memref<125x16xf32, #tpu.memory_space<vmem>>)
      tpu.yield
    }) : () -> ()
    "tpu.region"() ({
      %run_scoped3A = tpu.sem_alloc : memref<!tpu.dma_semaphore, #tpu.memory_space<semaphore_mem>>
      tpu.enqueue_dma source(%arg7 : memref<256x16xf32, #tpu.memory_space<hbm>>) target(%arg19 : memref<256x16xf32, #tpu.memory_space<vmem>>) target_semaphore(%run_scoped3A : memref<!tpu.dma_semaphore, #tpu.memory_space<semaphore_mem>>)
      tpu.wait_dma2 semaphore(%run_scoped3A : memref<!tpu.dma_semaphore, #tpu.memory_space<semaphore_mem>>) src(%arg7 : memref<256x16xf32, #tpu.memory_space<hbm>>) dst(%arg19 : memref<256x16xf32, #tpu.memory_space<vmem>>)
      tpu.yield
    }) : () -> ()
    %scan3A = arith.constant 0 : i32
    %scan3A_0 = arith.constant 5 : i32
    %scan3A_1 = arith.addi %scan3A, %scan3A_0 : i32
    %scan3A_2 = arith.constant 1 : i32
    scf.for %scan3A_28 = %scan3A to %scan3A_1 step %scan3A_2  : i32 {
      %mul3A_29 = arith.constant 1 : i32
      %mul3A_30 = arith.muli %scan3A_28, %mul3A_29 : i32
      %add3A_31 = arith.constant 0 : i32
      %add3A_32 = arith.addi %add3A_31, %mul3A_30 : i32
      %mul3A_33 = arith.constant 625 : i32
      %mul3A_34 = arith.muli %arg1, %mul3A_33 : i32
      %mul3A_35 = arith.constant 125 : i32
      %mul3A_36 = arith.muli %add3A_32, %mul3A_35 : i32
      %add3A_37 = arith.addi %mul3A_34, %mul3A_36 : i32
      "tpu.region"() ({
        %run_scoped3A = tpu.sem_alloc : memref<!tpu.dma_semaphore, #tpu.memory_space<semaphore_mem>>
        %dma_start3A_38 = arith.constant 0 : i32
        %dma_start3A_39 = arith.constant 0 : i32
        %dma_start3A_40 = tpu.memref_slice %arg12[%dma_start3A_38, %dma_start3A_39] : memref<256x64xf32, #tpu.memory_space<vmem>> -> memref<125x64xf32, #tpu.memory_space<vmem>>
        %dma_start3A_41 = arith.constant 0 : i32
        %dma_start3A_42 = tpu.memref_slice %arg21[%add3A_37, %dma_start3A_41] : memref<10000x64xf32, #tpu.memory_space<vmem_shared>> -> memref<125x64xf32, #tpu.memory_space<vmem_shared>>
        %dma_start3A_43 = arith.constant 0 : i32
        %dma_start3A_44 = tpu.memref_slice %arg21[%add3A_37, %dma_start3A_43] : memref<10000x64xf32, #tpu.memory_space<vmem_shared>> -> memref<125x64xf32, #tpu.memory_space<vmem_shared>>
        %dma_start3A_45 = arith.constant 0 : i32
        %dma_start3A_46 = arith.constant 0 : i32
        %dma_start3A_47 = tpu.memref_slice %arg12[%dma_start3A_45, %dma_start3A_46] : memref<256x64xf32, #tpu.memory_space<vmem>> -> memref<125x64xf32, #tpu.memory_space<vmem>>
        tpu.enqueue_dma source(%dma_start3A_47 : memref<125x64xf32, #tpu.memory_space<vmem>>) target(%dma_start3A_44 : memref<125x64xf32, #tpu.memory_space<vmem_shared>>) target_semaphore(%run_scoped3A : memref<!tpu.dma_semaphore, #tpu.memory_space<semaphore_mem>>)
        %dma_wait3A_48 = arith.constant 0 : i32
        %dma_wait3A_49 = arith.constant 0 : i32
        %dma_wait3A_50 = tpu.memref_slice %arg12[%dma_wait3A_48, %dma_wait3A_49] : memref<256x64xf32, #tpu.memory_space<vmem>> -> memref<125x64xf32, #tpu.memory_space<vmem>>
        %dma_wait3A_51 = arith.constant 0 : i32
        %dma_wait3A_52 = tpu.memref_slice %arg21[%add3A_37, %dma_wait3A_51] : memref<10000x64xf32, #tpu.memory_space<vmem_shared>> -> memref<125x64xf32, #tpu.memory_space<vmem_shared>>
        %dma_wait3A_53 = arith.constant 0 : i32
        %dma_wait3A_54 = tpu.memref_slice %arg21[%add3A_37, %dma_wait3A_53] : memref<10000x64xf32, #tpu.memory_space<vmem_shared>> -> memref<125x64xf32, #tpu.memory_space<vmem_shared>>
        %dma_wait3A_55 = arith.constant 0 : i32
        %dma_wait3A_56 = arith.constant 0 : i32
        %dma_wait3A_57 = tpu.memref_slice %arg12[%dma_wait3A_55, %dma_wait3A_56] : memref<256x64xf32, #tpu.memory_space<vmem>> -> memref<125x64xf32, #tpu.memory_space<vmem>>
        tpu.wait_dma2 semaphore(%run_scoped3A : memref<!tpu.dma_semaphore, #tpu.memory_space<semaphore_mem>>) src(%dma_wait3A_57 : memref<125x64xf32, #tpu.memory_space<vmem>>) dst(%dma_wait3A_54 : memref<125x64xf32, #tpu.memory_space<vmem_shared>>)
        tpu.yield
      }) : () -> ()
      "tpu.region"() ({
        %run_scoped3A = tpu.sem_alloc : memref<!tpu.dma_semaphore, #tpu.memory_space<semaphore_mem>>
        %dma_start3A_38 = arith.constant 0 : i32
        %dma_start3A_39 = tpu.memref_slice %arg22[%add3A_37, %dma_start3A_38] : memref<10000x16xf32, #tpu.memory_space<vmem_shared>> -> memref<125x16xf32, #tpu.memory_space<vmem_shared>>
        %dma_start3A_40 = arith.constant 0 : i32
        %dma_start3A_41 = tpu.memref_slice %arg22[%add3A_37, %dma_start3A_40] : memref<10000x16xf32, #tpu.memory_space<vmem_shared>> -> memref<125x16xf32, #tpu.memory_space<vmem_shared>>
        tpu.enqueue_dma source(%arg20 : memref<125x16xf32, #tpu.memory_space<vmem>>) target(%dma_start3A_41 : memref<125x16xf32, #tpu.memory_space<vmem_shared>>) target_semaphore(%run_scoped3A : memref<!tpu.dma_semaphore, #tpu.memory_space<semaphore_mem>>)
        %dma_wait3A_42 = arith.constant 0 : i32
        %dma_wait3A_43 = tpu.memref_slice %arg22[%add3A_37, %dma_wait3A_42] : memref<10000x16xf32, #tpu.memory_space<vmem_shared>> -> memref<125x16xf32, #tpu.memory_space<vmem_shared>>
        %dma_wait3A_44 = arith.constant 0 : i32
        %dma_wait3A_45 = tpu.memref_slice %arg22[%add3A_37, %dma_wait3A_44] : memref<10000x16xf32, #tpu.memory_space<vmem_shared>> -> memref<125x16xf32, #tpu.memory_space<vmem_shared>>
        tpu.wait_dma2 semaphore(%run_scoped3A : memref<!tpu.dma_semaphore, #tpu.memory_space<semaphore_mem>>) src(%arg20 : memref<125x16xf32, #tpu.memory_space<vmem>>) dst(%dma_wait3A_45 : memref<125x16xf32, #tpu.memory_space<vmem_shared>>)
        tpu.yield
      }) : () -> ()
    }
    %scan3A_3 = arith.constant 5 : i32
    %barrier3A = arith.constant 0 : index
    tpu.barrier barrier_id(%barrier3A)
    %mul3A = arith.constant 20000 : i32
    %mul3A_4 = arith.muli %arg1, %mul3A : i32
    %scan3A_5 = arith.constant 0 : i32
    %scan3A_6 = arith.constant 39 : i32
    %scan3A_7 = arith.addi %scan3A_5, %scan3A_6 : i32
    %scan3A_8 = arith.constant 1 : i32
    scf.for %scan3A_28 = %scan3A_5 to %scan3A_7 step %scan3A_8  : i32 {
      %mul3A_29 = arith.constant 1 : i32
      %mul3A_30 = arith.muli %scan3A_28, %mul3A_29 : i32
      %add3A_31 = arith.constant 0 : i32
      %add3A_32 = arith.addi %add3A_31, %mul3A_30 : i32
      %mul3A_33 = arith.constant 2 : i32
      %mul3A_34 = arith.muli %mul3A_33, %add3A_32 : i32
      %mul3A_35 = arith.constant 256 : i32
      %mul3A_36 = arith.muli %mul3A_34, %mul3A_35 : i32
      %add3A_37 = arith.addi %mul3A_4, %mul3A_36 : i32
      %add3A_38 = arith.constant 256 : i32
      %add3A_39 = arith.addi %add3A_37, %add3A_38 : i32
      "tpu.region"() ({
        %run_scoped3A = tpu.sem_alloc : memref<!tpu.dma_semaphore, #tpu.memory_space<semaphore_mem>>
        %dma_start3A_79 = tpu.memref_slice %arg3[%add3A_37] : memref<320000xi32, #tpu.memory_space<hbm>> -> memref<256xi32, #tpu.memory_space<hbm>>
        %dma_start3A_80 = tpu.memref_slice %arg3[%add3A_37] : memref<320000xi32, #tpu.memory_space<hbm>> -> memref<256xi32, #tpu.memory_space<hbm>>
        tpu.enqueue_dma source(%dma_start3A_80 : memref<256xi32, #tpu.memory_space<hbm>>) target(%arg10 : memref<256xi32, #tpu.memory_space<vmem>>) target_semaphore(%run_scoped3A : memref<!tpu.dma_semaphore, #tpu.memory_space<semaphore_mem>>)
        %dma_wait3A_81 = tpu.memref_slice %arg3[%add3A_37] : memref<320000xi32, #tpu.memory_space<hbm>> -> memref<256xi32, #tpu.memory_space<hbm>>
        %dma_wait3A_82 = tpu.memref_slice %arg3[%add3A_37] : memref<320000xi32, #tpu.memory_space<hbm>> -> memref<256xi32, #tpu.memory_space<hbm>>
        tpu.wait_dma2 semaphore(%run_scoped3A : memref<!tpu.dma_semaphore, #tpu.memory_space<semaphore_mem>>) src(%dma_wait3A_82 : memref<256xi32, #tpu.memory_space<hbm>>) dst(%arg10 : memref<256xi32, #tpu.memory_space<vmem>>)
        tpu.yield
      }) : () -> ()
      "tpu.region"() ({
        %run_scoped3A = tpu.sem_alloc : memref<!tpu.dma_semaphore, #tpu.memory_space<semaphore_mem>>
        %dma_start3A_79 = tpu.memref_slice %arg4[%add3A_37] : memref<320000xi32, #tpu.memory_space<hbm>> -> memref<256xi32, #tpu.memory_space<hbm>>
        %dma_start3A_80 = tpu.memref_slice %arg4[%add3A_37] : memref<320000xi32, #tpu.memory_space<hbm>> -> memref<256xi32, #tpu.memory_space<hbm>>
        tpu.enqueue_dma source(%dma_start3A_80 : memref<256xi32, #tpu.memory_space<hbm>>) target(%arg11 : memref<256xi32, #tpu.memory_space<vmem>>) target_semaphore(%run_scoped3A : memref<!tpu.dma_semaphore, #tpu.memory_space<semaphore_mem>>)
        %dma_wait3A_81 = tpu.memref_slice %arg4[%add3A_37] : memref<320000xi32, #tpu.memory_space<hbm>> -> memref<256xi32, #tpu.memory_space<hbm>>
        %dma_wait3A_82 = tpu.memref_slice %arg4[%add3A_37] : memref<320000xi32, #tpu.memory_space<hbm>> -> memref<256xi32, #tpu.memory_space<hbm>>
        tpu.wait_dma2 semaphore(%run_scoped3A : memref<!tpu.dma_semaphore, #tpu.memory_space<semaphore_mem>>) src(%dma_wait3A_82 : memref<256xi32, #tpu.memory_space<hbm>>) dst(%arg11 : memref<256xi32, #tpu.memory_space<vmem>>)
        tpu.yield
      }) : () -> ()
      "tpu.region"() ({
        %run_scoped3A = tpu.sem_alloc : memref<!tpu.dma_semaphore, #tpu.memory_space<semaphore_mem>>
        %dma_start3A_79 = tpu.memref_slice %arg3[%add3A_39] : memref<320000xi32, #tpu.memory_space<hbm>> -> memref<256xi32, #tpu.memory_space<hbm>>
        %dma_start3A_80 = tpu.memref_slice %arg3[%add3A_39] : memref<320000xi32, #tpu.memory_space<hbm>> -> memref<256xi32, #tpu.memory_space<hbm>>
        tpu.enqueue_dma source(%dma_start3A_80 : memref<256xi32, #tpu.memory_space<hbm>>) target(%arg13 : memref<256xi32, #tpu.memory_space<vmem>>) target_semaphore(%run_scoped3A : memref<!tpu.dma_semaphore, #tpu.memory_space<semaphore_mem>>)
        %dma_wait3A_81 = tpu.memref_slice %arg3[%add3A_39] : memref<320000xi32, #tpu.memory_space<hbm>> -> memref<256xi32, #tpu.memory_space<hbm>>
        %dma_wait3A_82 = tpu.memref_slice %arg3[%add3A_39] : memref<320000xi32, #tpu.memory_space<hbm>> -> memref<256xi32, #tpu.memory_space<hbm>>
        tpu.wait_dma2 semaphore(%run_scoped3A : memref<!tpu.dma_semaphore, #tpu.memory_space<semaphore_mem>>) src(%dma_wait3A_82 : memref<256xi32, #tpu.memory_space<hbm>>) dst(%arg13 : memref<256xi32, #tpu.memory_space<vmem>>)
        tpu.yield
      }) : () -> ()
      "tpu.region"() ({
        %run_scoped3A = tpu.sem_alloc : memref<!tpu.dma_semaphore, #tpu.memory_space<semaphore_mem>>
        %dma_start3A_79 = tpu.memref_slice %arg4[%add3A_39] : memref<320000xi32, #tpu.memory_space<hbm>> -> memref<256xi32, #tpu.memory_space<hbm>>
        %dma_start3A_80 = tpu.memref_slice %arg4[%add3A_39] : memref<320000xi32, #tpu.memory_space<hbm>> -> memref<256xi32, #tpu.memory_space<hbm>>
        tpu.enqueue_dma source(%dma_start3A_80 : memref<256xi32, #tpu.memory_space<hbm>>) target(%arg14 : memref<256xi32, #tpu.memory_space<vmem>>) target_semaphore(%run_scoped3A : memref<!tpu.dma_semaphore, #tpu.memory_space<semaphore_mem>>)
        %dma_wait3A_81 = tpu.memref_slice %arg4[%add3A_39] : memref<320000xi32, #tpu.memory_space<hbm>> -> memref<256xi32, #tpu.memory_space<hbm>>
        %dma_wait3A_82 = tpu.memref_slice %arg4[%add3A_39] : memref<320000xi32, #tpu.memory_space<hbm>> -> memref<256xi32, #tpu.memory_space<hbm>>
        tpu.wait_dma2 semaphore(%run_scoped3A : memref<!tpu.dma_semaphore, #tpu.memory_space<semaphore_mem>>) src(%dma_wait3A_82 : memref<256xi32, #tpu.memory_space<hbm>>) dst(%arg14 : memref<256xi32, #tpu.memory_space<vmem>>)
        tpu.yield
      }) : () -> ()
      %scan3A_40 = arith.constant 0 : i32
      %scan3A_41 = arith.constant 16 : i32
      %scan3A_42 = arith.addi %scan3A_40, %scan3A_41 : i32
      %scan3A_43 = arith.constant 1 : i32
      scf.for %scan3A_79 = %scan3A_40 to %scan3A_42 step %scan3A_43  : i32 {
        %mul3A_80 = arith.constant 1 : i32
        %mul3A_81 = arith.muli %scan3A_79, %mul3A_80 : i32
        %add3A_82 = arith.constant 0 : i32
        %add3A_83 = arith.addi %add3A_82, %mul3A_81 : i32
        %mul3A_84 = arith.constant 16 : i32
        %mul3A_85 = arith.muli %add3A_83, %mul3A_84 : i32
        %get3A = arith.index_cast %mul3A_85 : i32 to index
        %get3A_86 = tpu.vector_load %arg10[%get3A] {strides = array<i32>} : memref<256xi32, #tpu.memory_space<vmem>>, vector<16xi32>,
        %get3A_87 = vector.shape_cast %get3A_86 : vector<16xi32> to vector<16xi32>
        %add3A_88 = arith.addi %get3A_87, %get3A_87 : vector<16xi32>
        %add3A_89 = vector.broadcast %arg0 : i32 to vector<16xi32>
        %add3A_90 = arith.addi %add3A_88, %add3A_89 : vector<16xi32>
        %mul3A_91 = arith.constant 16 : i32
        %mul3A_92 = arith.muli %add3A_83, %mul3A_91 : i32
        %swap3A = arith.index_cast %mul3A_92 : i32 to index
        %swap3A_93 = tpu.vector_load %arg10[%swap3A] {strides = array<i32>} : memref<256xi32, #tpu.memory_space<vmem>>, vector<16xi32>,
        %swap3A_94 = vector.shape_cast %swap3A_93 : vector<16xi32> to vector<16xi32>
        %swap3A_95 = vector.shape_cast %add3A_90 : vector<16xi32> to vector<16xi32>
        tpu.vector_store %arg10[%swap3A], %swap3A_95 {strides = array<i32>} : memref<256xi32, #tpu.memory_space<vmem>>, vector<16xi32>,
        %mul3A_96 = arith.constant 16 : i32
        %mul3A_97 = arith.muli %add3A_83, %mul3A_96 : i32
        %get3A_98 = arith.index_cast %mul3A_97 : i32 to index
        %get3A_99 = tpu.vector_load %arg13[%get3A_98] {strides = array<i32>} : memref<256xi32, #tpu.memory_space<vmem>>, vector<16xi32>,
        %get3A_100 = vector.shape_cast %get3A_99 : vector<16xi32> to vector<16xi32>
        %add3A_101 = arith.addi %get3A_100, %get3A_100 : vector<16xi32>
        %add3A_102 = vector.broadcast %arg0 : i32 to vector<16xi32>
        %add3A_103 = arith.addi %add3A_101, %add3A_102 : vector<16xi32>
        %mul3A_104 = arith.constant 16 : i32
        %mul3A_105 = arith.muli %add3A_83, %mul3A_104 : i32
        %swap3A_106 = arith.index_cast %mul3A_105 : i32 to index
        %swap3A_107 = tpu.vector_load %arg13[%swap3A_106] {strides = array<i32>} : memref<256xi32, #tpu.memory_space<vmem>>, vector<16xi32>,
        %swap3A_108 = vector.shape_cast %swap3A_107 : vector<16xi32> to vector<16xi32>
        %swap3A_109 = vector.shape_cast %add3A_103 : vector<16xi32> to vector<16xi32>
        tpu.vector_store %arg13[%swap3A_106], %swap3A_109 {strides = array<i32>} : memref<256xi32, #tpu.memory_space<vmem>>, vector<16xi32>,
      }
      %scan3A_44 = arith.constant 16 : i32
      %dma_start3A_45 = arith.constant 0 : i32
      %dma_start3A_46 = arith.constant 0 : i32
      %dma_start3A_47 = tpu.memref_slice %arg2[%dma_start3A_45, %dma_start3A_46] : memref<20000x64xf32, #tpu.memory_space<hbm>> -> memref<20000x64xf32, #tpu.memory_space<hbm>>
      tpu.enqueue_indirect_dma source(%dma_start3A_47 : memref<20000x64xf32, #tpu.memory_space<hbm>>) target(%arg12 : memref<256x64xf32, #tpu.memory_space<vmem>>) offsets(%arg10 : memref<256xi32, #tpu.memory_space<vmem>>) semaphore(%arg23 : memref<!tpu.dma_semaphore, #tpu.memory_space<semaphore_mem>>)
      %dma_start3A_48 = arith.constant 0 : i32
      %dma_start3A_49 = arith.constant 0 : i32
      %dma_start3A_50 = tpu.memref_slice %arg2[%dma_start3A_48, %dma_start3A_49] : memref<20000x64xf32, #tpu.memory_space<hbm>> -> memref<20000x64xf32, #tpu.memory_space<hbm>>
      tpu.enqueue_indirect_dma source(%dma_start3A_50 : memref<20000x64xf32, #tpu.memory_space<hbm>>) target(%arg15 : memref<256x64xf32, #tpu.memory_space<vmem>>) offsets(%arg13 : memref<256xi32, #tpu.memory_space<vmem>>) semaphore(%arg24 : memref<!tpu.dma_semaphore, #tpu.memory_space<semaphore_mem>>)
      %eq3A_51 = arith.constant 0 : i32
      %eq3A_52 = arith.cmpi eq, %arg0, %eq3A_51 : i32
      %lt3A = arith.constant 20 : i32
      %lt3A_53 = arith.cmpi slt, %add3A_32, %lt3A : i32
      %and3A = arith.andi %eq3A_52, %lt3A_53 : i1
      %eq3A_54 = arith.constant 1 : i32
      %eq3A_55 = arith.cmpi eq, %arg0, %eq3A_54 : i32
      %ge3A = arith.constant 20 : i32
      %ge3A_56 = arith.cmpi sge, %add3A_32, %ge3A : i32
      %and3A_57 = arith.andi %eq3A_55, %ge3A_56 : i1
      %or3A = arith.ori %and3A, %and3A_57 : i1
      %convert_element_type3A_58 = arith.extui %or3A : i1 to i32
      %cond3A_59 = arith.constant 0 : i32
      %cond3A_60 = arith.cmpi ne, %convert_element_type3A_58, %cond3A_59 : i32
      scf.if %cond3A_60 {
        %dma_start3A_79 = arith.constant 0 : i32
        %dma_start3A_80 = arith.constant 0 : i32
        %dma_start3A_81 = tpu.memref_slice %arg22[%dma_start3A_79, %dma_start3A_80] : memref<10000x16xf32, #tpu.memory_space<vmem_shared>> -> memref<10000x16xf32, #tpu.memory_space<vmem_shared>>
        tpu.enqueue_indirect_dma source(%arg19 : memref<256x16xf32, #tpu.memory_space<vmem>>) target(%dma_start3A_81 : memref<10000x16xf32, #tpu.memory_space<vmem_shared>>) offsets(%arg11 : memref<256xi32, #tpu.memory_space<vmem>>) semaphore(%arg27 : memref<!tpu.dma_semaphore, #tpu.memory_space<semaphore_mem>>) {add = true}
        %dma_wait3A_82 = arith.constant 0 : i32
        %dma_wait3A_83 = arith.constant 0 : i32
        %dma_wait3A_84 = tpu.memref_slice %arg22[%dma_wait3A_82, %dma_wait3A_83] : memref<10000x16xf32, #tpu.memory_space<vmem_shared>> -> memref<10000x16xf32, #tpu.memory_space<vmem_shared>>
        tpu.wait_indirect_dma semaphore(%arg27 : memref<!tpu.dma_semaphore, #tpu.memory_space<semaphore_mem>>) src(%arg19 : memref<256x16xf32, #tpu.memory_space<vmem>>) dst(%dma_wait3A_84 : memref<10000x16xf32, #tpu.memory_space<vmem_shared>>)
        %dma_start3A_85 = arith.constant 0 : i32
        %dma_start3A_86 = arith.constant 0 : i32
        %dma_start3A_87 = tpu.memref_slice %arg22[%dma_start3A_85, %dma_start3A_86] : memref<10000x16xf32, #tpu.memory_space<vmem_shared>> -> memref<10000x16xf32, #tpu.memory_space<vmem_shared>>
        tpu.enqueue_indirect_dma source(%arg19 : memref<256x16xf32, #tpu.memory_space<vmem>>) target(%dma_start3A_87 : memref<10000x16xf32, #tpu.memory_space<vmem_shared>>) offsets(%arg14 : memref<256xi32, #tpu.memory_space<vmem>>) semaphore(%arg27 : memref<!tpu.dma_semaphore, #tpu.memory_space<semaphore_mem>>) {add = true}
        %dma_wait3A_88 = arith.constant 0 : i32
        %dma_wait3A_89 = arith.constant 0 : i32
        %dma_wait3A_90 = tpu.memref_slice %arg22[%dma_wait3A_88, %dma_wait3A_89] : memref<10000x16xf32, #tpu.memory_space<vmem_shared>> -> memref<10000x16xf32, #tpu.memory_space<vmem_shared>>
        tpu.wait_indirect_dma semaphore(%arg27 : memref<!tpu.dma_semaphore, #tpu.memory_space<semaphore_mem>>) src(%arg19 : memref<256x16xf32, #tpu.memory_space<vmem>>) dst(%dma_wait3A_90 : memref<10000x16xf32, #tpu.memory_space<vmem_shared>>)
      } else {
      }
      %dma_wait3A_61 = arith.constant 0 : i32
      %dma_wait3A_62 = arith.constant 0 : i32
      %dma_wait3A_63 = tpu.memref_slice %arg2[%dma_wait3A_61, %dma_wait3A_62] : memref<20000x64xf32, #tpu.memory_space<hbm>> -> memref<20000x64xf32, #tpu.memory_space<hbm>>
      tpu.wait_indirect_dma semaphore(%arg23 : memref<!tpu.dma_semaphore, #tpu.memory_space<semaphore_mem>>) src(%dma_wait3A_63 : memref<20000x64xf32, #tpu.memory_space<hbm>>) dst(%arg12 : memref<256x64xf32, #tpu.memory_space<vmem>>)
      %dma_start3A_64 = arith.constant 0 : i32
      %dma_start3A_65 = arith.constant 0 : i32
      %dma_start3A_66 = tpu.memref_slice %arg21[%dma_start3A_64, %dma_start3A_65] : memref<10000x64xf32, #tpu.memory_space<vmem_shared>> -> memref<10000x64xf32, #tpu.memory_space<vmem_shared>>
      tpu.enqueue_indirect_dma source(%arg12 : memref<256x64xf32, #tpu.memory_space<vmem>>) target(%dma_start3A_66 : memref<10000x64xf32, #tpu.memory_space<vmem_shared>>) offsets(%arg11 : memref<256xi32, #tpu.memory_space<vmem>>) semaphore(%arg25 : memref<!tpu.dma_semaphore, #tpu.memory_space<semaphore_mem>>) {add = true}
      %dma_wait3A_67 = arith.constant 0 : i32
      %dma_wait3A_68 = arith.constant 0 : i32
      %dma_wait3A_69 = tpu.memref_slice %arg2[%dma_wait3A_67, %dma_wait3A_68] : memref<20000x64xf32, #tpu.memory_space<hbm>> -> memref<20000x64xf32, #tpu.memory_space<hbm>>
      tpu.wait_indirect_dma semaphore(%arg24 : memref<!tpu.dma_semaphore, #tpu.memory_space<semaphore_mem>>) src(%dma_wait3A_69 : memref<20000x64xf32, #tpu.memory_space<hbm>>) dst(%arg15 : memref<256x64xf32, #tpu.memory_space<vmem>>)
      %dma_start3A_70 = arith.constant 0 : i32
      %dma_start3A_71 = arith.constant 0 : i32
      %dma_start3A_72 = tpu.memref_slice %arg21[%dma_start3A_70, %dma_start3A_71] : memref<10000x64xf32, #tpu.memory_space<vmem_shared>> -> memref<10000x64xf32, #tpu.memory_space<vmem_shared>>
      tpu.enqueue_indirect_dma source(%arg15 : memref<256x64xf32, #tpu.memory_space<vmem>>) target(%dma_start3A_72 : memref<10000x64xf32, #tpu.memory_space<vmem_shared>>) offsets(%arg14 : memref<256xi32, #tpu.memory_space<vmem>>) semaphore(%arg26 : memref<!tpu.dma_semaphore, #tpu.memory_space<semaphore_mem>>) {add = true}
      %dma_wait3A_73 = arith.constant 0 : i32
      %dma_wait3A_74 = arith.constant 0 : i32
      %dma_wait3A_75 = tpu.memref_slice %arg21[%dma_wait3A_73, %dma_wait3A_74] : memref<10000x64xf32, #tpu.memory_space<vmem_shared>> -> memref<10000x64xf32, #tpu.memory_space<vmem_shared>>
      tpu.wait_indirect_dma semaphore(%arg25 : memref<!tpu.dma_semaphore, #tpu.memory_space<semaphore_mem>>) src(%arg12 : memref<256x64xf32, #tpu.memory_space<vmem>>) dst(%dma_wait3A_75 : memref<10000x64xf32, #tpu.memory_space<vmem_shared>>)
      %dma_wait3A_76 = arith.constant 0 : i32
      %dma_wait3A_77 = arith.constant 0 : i32
      %dma_wait3A_78 = tpu.memref_slice %arg21[%dma_wait3A_76, %dma_wait3A_77] : memref<10000x64xf32, #tpu.memory_space<vmem_shared>> -> memref<10000x64xf32, #tpu.memory_space<vmem_shared>>
      tpu.wait_indirect_dma semaphore(%arg26 : memref<!tpu.dma_semaphore, #tpu.memory_space<semaphore_mem>>) src(%arg15 : memref<256x64xf32, #tpu.memory_space<vmem>>) dst(%dma_wait3A_78 : memref<10000x64xf32, #tpu.memory_space<vmem_shared>>)
    }
    %scan3A_9 = arith.constant 39 : i32
    %add3A = arith.constant 19968 : i32
    %add3A_10 = arith.addi %mul3A_4, %add3A : i32
    "tpu.region"() ({
      %run_scoped3A = tpu.sem_alloc : memref<!tpu.dma_semaphore, #tpu.memory_space<semaphore_mem>>
      %dma_start3A_28 = tpu.memref_slice %arg3[%add3A_10] : memref<320000xi32, #tpu.memory_space<hbm>> -> memref<32xi32, #tpu.memory_space<hbm>>
      %dma_start3A_29 = tpu.memref_slice %arg3[%add3A_10] : memref<320000xi32, #tpu.memory_space<hbm>> -> memref<32xi32, #tpu.memory_space<hbm>>
      tpu.enqueue_dma source(%dma_start3A_29 : memref<32xi32, #tpu.memory_space<hbm>>) target(%arg16 : memref<32xi32, #tpu.memory_space<vmem>>) target_semaphore(%run_scoped3A : memref<!tpu.dma_semaphore, #tpu.memory_space<semaphore_mem>>)
      %dma_wait3A_30 = tpu.memref_slice %arg3[%add3A_10] : memref<320000xi32, #tpu.memory_space<hbm>> -> memref<32xi32, #tpu.memory_space<hbm>>
      %dma_wait3A_31 = tpu.memref_slice %arg3[%add3A_10] : memref<320000xi32, #tpu.memory_space<hbm>> -> memref<32xi32, #tpu.memory_space<hbm>>
      tpu.wait_dma2 semaphore(%run_scoped3A : memref<!tpu.dma_semaphore, #tpu.memory_space<semaphore_mem>>) src(%dma_wait3A_31 : memref<32xi32, #tpu.memory_space<hbm>>) dst(%arg16 : memref<32xi32, #tpu.memory_space<vmem>>)
      tpu.yield
    }) : () -> ()
    "tpu.region"() ({
      %run_scoped3A = tpu.sem_alloc : memref<!tpu.dma_semaphore, #tpu.memory_space<semaphore_mem>>
      %dma_start3A_28 = tpu.memref_slice %arg4[%add3A_10] : memref<320000xi32, #tpu.memory_space<hbm>> -> memref<32xi32, #tpu.memory_space<hbm>>
      %dma_start3A_29 = tpu.memref_slice %arg4[%add3A_10] : memref<320000xi32, #tpu.memory_space<hbm>> -> memref<32xi32, #tpu.memory_space<hbm>>
      tpu.enqueue_dma source(%dma_start3A_29 : memref<32xi32, #tpu.memory_space<hbm>>) target(%arg17 : memref<32xi32, #tpu.memory_space<vmem>>) target_semaphore(%run_scoped3A : memref<!tpu.dma_semaphore, #tpu.memory_space<semaphore_mem>>)
      %dma_wait3A_30 = tpu.memref_slice %arg4[%add3A_10] : memref<320000xi32, #tpu.memory_space<hbm>> -> memref<32xi32, #tpu.memory_space<hbm>>
      %dma_wait3A_31 = tpu.memref_slice %arg4[%add3A_10] : memref<320000xi32, #tpu.memory_space<hbm>> -> memref<32xi32, #tpu.memory_space<hbm>>
      tpu.wait_dma2 semaphore(%run_scoped3A : memref<!tpu.dma_semaphore, #tpu.memory_space<semaphore_mem>>) src(%dma_wait3A_31 : memref<32xi32, #tpu.memory_space<hbm>>) dst(%arg17 : memref<32xi32, #tpu.memory_space<vmem>>)
      tpu.yield
    }) : () -> ()
    %scan3A_11 = arith.constant 0 : i32
    %scan3A_12 = arith.constant 2 : i32
    %scan3A_13 = arith.addi %scan3A_11, %scan3A_12 : i32
    %scan3A_14 = arith.constant 1 : i32
    scf.for %scan3A_28 = %scan3A_11 to %scan3A_13 step %scan3A_14  : i32 {
      %mul3A_29 = arith.constant 1 : i32
      %mul3A_30 = arith.muli %scan3A_28, %mul3A_29 : i32
      %add3A_31 = arith.constant 0 : i32
      %add3A_32 = arith.addi %add3A_31, %mul3A_30 : i32
      %mul3A_33 = arith.constant 16 : i32
      %mul3A_34 = arith.muli %add3A_32, %mul3A_33 : i32
      %get3A = arith.index_cast %mul3A_34 : i32 to index
      %get3A_35 = tpu.vector_load %arg16[%get3A] {strides = array<i32>} : memref<32xi32, #tpu.memory_space<vmem>>, vector<16xi32>,
      %get3A_36 = vector.shape_cast %get3A_35 : vector<16xi32> to vector<16xi32>
      %add3A_37 = arith.addi %get3A_36, %get3A_36 : vector<16xi32>
      %add3A_38 = vector.broadcast %arg0 : i32 to vector<16xi32>
      %add3A_39 = arith.addi %add3A_37, %add3A_38 : vector<16xi32>
      %mul3A_40 = arith.constant 16 : i32
      %mul3A_41 = arith.muli %add3A_32, %mul3A_40 : i32
      %swap3A = arith.index_cast %mul3A_41 : i32 to index
      %swap3A_42 = tpu.vector_load %arg16[%swap3A] {strides = array<i32>} : memref<32xi32, #tpu.memory_space<vmem>>, vector<16xi32>,
      %swap3A_43 = vector.shape_cast %swap3A_42 : vector<16xi32> to vector<16xi32>
      %swap3A_44 = vector.shape_cast %add3A_39 : vector<16xi32> to vector<16xi32>
      tpu.vector_store %arg16[%swap3A], %swap3A_44 {strides = array<i32>} : memref<32xi32, #tpu.memory_space<vmem>>, vector<16xi32>,
    }
    %scan3A_15 = arith.constant 2 : i32
    %dma_start3A = arith.constant 0 : i32
    %dma_start3A_16 = arith.constant 0 : i32
    %dma_start3A_17 = tpu.memref_slice %arg2[%dma_start3A, %dma_start3A_16] : memref<20000x64xf32, #tpu.memory_space<hbm>> -> memref<20000x64xf32, #tpu.memory_space<hbm>>
    tpu.enqueue_indirect_dma source(%dma_start3A_17 : memref<20000x64xf32, #tpu.memory_space<hbm>>) target(%arg18 : memref<32x64xf32, #tpu.memory_space<vmem>>) offsets(%arg16 : memref<32xi32, #tpu.memory_space<vmem>>) semaphore(%arg23 : memref<!tpu.dma_semaphore, #tpu.memory_space<semaphore_mem>>)
    %dma_wait3A = arith.constant 0 : i32
    %dma_wait3A_18 = arith.constant 0 : i32
    %dma_wait3A_19 = tpu.memref_slice %arg2[%dma_wait3A, %dma_wait3A_18] : memref<20000x64xf32, #tpu.memory_space<hbm>> -> memref<20000x64xf32, #tpu.memory_space<hbm>>
    tpu.wait_indirect_dma semaphore(%arg23 : memref<!tpu.dma_semaphore, #tpu.memory_space<semaphore_mem>>) src(%dma_wait3A_19 : memref<20000x64xf32, #tpu.memory_space<hbm>>) dst(%arg18 : memref<32x64xf32, #tpu.memory_space<vmem>>)
    "tpu.region"() ({
      %run_scoped3A = tpu.sem_alloc : memref<!tpu.dma_semaphore, #tpu.memory_space<semaphore_mem>>
      %dma_start3A_28 = arith.constant 0 : i32
      %dma_start3A_29 = arith.constant 0 : i32
      %dma_start3A_30 = tpu.memref_slice %arg21[%dma_start3A_28, %dma_start3A_29] : memref<10000x64xf32, #tpu.memory_space<vmem_shared>> -> memref<10000x64xf32, #tpu.memory_space<vmem_shared>>
      tpu.enqueue_indirect_dma source(%arg18 : memref<32x64xf32, #tpu.memory_space<vmem>>) target(%dma_start3A_30 : memref<10000x64xf32, #tpu.memory_space<vmem_shared>>) offsets(%arg17 : memref<32xi32, #tpu.memory_space<vmem>>) semaphore(%run_scoped3A : memref<!tpu.dma_semaphore, #tpu.memory_space<semaphore_mem>>) {add = true}
      %dma_wait3A_31 = arith.constant 0 : i32
      %dma_wait3A_32 = arith.constant 0 : i32
      %dma_wait3A_33 = tpu.memref_slice %arg21[%dma_wait3A_31, %dma_wait3A_32] : memref<10000x64xf32, #tpu.memory_space<vmem_shared>> -> memref<10000x64xf32, #tpu.memory_space<vmem_shared>>
      tpu.wait_indirect_dma semaphore(%run_scoped3A : memref<!tpu.dma_semaphore, #tpu.memory_space<semaphore_mem>>) src(%arg18 : memref<32x64xf32, #tpu.memory_space<vmem>>) dst(%dma_wait3A_33 : memref<10000x64xf32, #tpu.memory_space<vmem_shared>>)
      tpu.yield
    }) : () -> ()
    %eq3A = arith.constant 1 : i32
    %eq3A_20 = arith.cmpi eq, %arg0, %eq3A : i32
    %convert_element_type3A = arith.extui %eq3A_20 : i1 to i32
    %cond3A = arith.constant 0 : i32
    %cond3A_21 = arith.cmpi ne, %convert_element_type3A, %cond3A : i32
    scf.if %cond3A_21 {
      "tpu.region"() ({
        %run_scoped3A = tpu.sem_alloc : memref<!tpu.dma_semaphore, #tpu.memory_space<semaphore_mem>>
        %dma_start3A_28 = arith.constant 0 : i32
        %dma_start3A_29 = arith.constant 0 : i32
        %dma_start3A_30 = tpu.memref_slice %arg19[%dma_start3A_28, %dma_start3A_29] : memref<256x16xf32, #tpu.memory_space<vmem>> -> memref<32x16xf32, #tpu.memory_space<vmem>>
        %dma_start3A_31 = arith.constant 0 : i32
        %dma_start3A_32 = arith.constant 0 : i32
        %dma_start3A_33 = tpu.memref_slice %arg22[%dma_start3A_31, %dma_start3A_32] : memref<10000x16xf32, #tpu.memory_space<vmem_shared>> -> memref<10000x16xf32, #tpu.memory_space<vmem_shared>>
        tpu.enqueue_indirect_dma source(%dma_start3A_30 : memref<32x16xf32, #tpu.memory_space<vmem>>) target(%dma_start3A_33 : memref<10000x16xf32, #tpu.memory_space<vmem_shared>>) offsets(%arg17 : memref<32xi32, #tpu.memory_space<vmem>>) semaphore(%run_scoped3A : memref<!tpu.dma_semaphore, #tpu.memory_space<semaphore_mem>>) {add = true}
        %dma_wait3A_34 = arith.constant 0 : i32
        %dma_wait3A_35 = arith.constant 0 : i32
        %dma_wait3A_36 = tpu.memref_slice %arg19[%dma_wait3A_34, %dma_wait3A_35] : memref<256x16xf32, #tpu.memory_space<vmem>> -> memref<32x16xf32, #tpu.memory_space<vmem>>
        %dma_wait3A_37 = arith.constant 0 : i32
        %dma_wait3A_38 = arith.constant 0 : i32
        %dma_wait3A_39 = tpu.memref_slice %arg22[%dma_wait3A_37, %dma_wait3A_38] : memref<10000x16xf32, #tpu.memory_space<vmem_shared>> -> memref<10000x16xf32, #tpu.memory_space<vmem_shared>>
        tpu.wait_indirect_dma semaphore(%run_scoped3A : memref<!tpu.dma_semaphore, #tpu.memory_space<semaphore_mem>>) src(%dma_wait3A_36 : memref<32x16xf32, #tpu.memory_space<vmem>>) dst(%dma_wait3A_39 : memref<10000x16xf32, #tpu.memory_space<vmem_shared>>)
        tpu.yield
      }) : () -> ()
    } else {
    }
    %barrier3A_22 = arith.constant 0 : index
    tpu.barrier barrier_id(%barrier3A_22)
    %scan3A_23 = arith.constant 0 : i32
    %scan3A_24 = arith.constant 5 : i32
    %scan3A_25 = arith.addi %scan3A_23, %scan3A_24 : i32
    %scan3A_26 = arith.constant 1 : i32
    scf.for %scan3A_28 = %scan3A_23 to %scan3A_25 step %scan3A_26  : i32 {
      %mul3A_29 = arith.constant 1 : i32
      %mul3A_30 = arith.muli %scan3A_28, %mul3A_29 : i32
      %add3A_31 = arith.constant 0 : i32
      %add3A_32 = arith.addi %add3A_31, %mul3A_30 : i32
      %mul3A_33 = arith.constant 625 : i32
      %mul3A_34 = arith.muli %arg1, %mul3A_33 : i32
      %mul3A_35 = arith.constant 125 : i32
      %mul3A_36 = arith.muli %add3A_32, %mul3A_35 : i32
      %add3A_37 = arith.addi %mul3A_34, %mul3A_36 : i32
      "tpu.region"() ({
        %run_scoped3A = tpu.sem_alloc : memref<!tpu.dma_semaphore, #tpu.memory_space<semaphore_mem>>
        %dma_start3A_38 = arith.constant 0 : i32
        %dma_start3A_39 = arith.constant 0 : i32
        %dma_start3A_40 = tpu.memref_slice %arg12[%dma_start3A_38, %dma_start3A_39] : memref<256x64xf32, #tpu.memory_space<vmem>> -> memref<125x64xf32, #tpu.memory_space<vmem>>
        %dma_start3A_41 = arith.constant 0 : i32
        %dma_start3A_42 = tpu.memref_slice %arg21[%add3A_37, %dma_start3A_41] : memref<10000x64xf32, #tpu.memory_space<vmem_shared>> -> memref<125x64xf32, #tpu.memory_space<vmem_shared>>
        %dma_start3A_43 = arith.constant 0 : i32
        %dma_start3A_44 = arith.constant 0 : i32
        %dma_start3A_45 = tpu.memref_slice %arg12[%dma_start3A_43, %dma_start3A_44] : memref<256x64xf32, #tpu.memory_space<vmem>> -> memref<125x64xf32, #tpu.memory_space<vmem>>
        %dma_start3A_46 = arith.constant 0 : i32
        %dma_start3A_47 = tpu.memref_slice %arg21[%add3A_37, %dma_start3A_46] : memref<10000x64xf32, #tpu.memory_space<vmem_shared>> -> memref<125x64xf32, #tpu.memory_space<vmem_shared>>
        tpu.enqueue_dma source(%dma_start3A_47 : memref<125x64xf32, #tpu.memory_space<vmem_shared>>) target(%dma_start3A_45 : memref<125x64xf32, #tpu.memory_space<vmem>>) target_semaphore(%run_scoped3A : memref<!tpu.dma_semaphore, #tpu.memory_space<semaphore_mem>>)
        %dma_wait3A_48 = arith.constant 0 : i32
        %dma_wait3A_49 = arith.constant 0 : i32
        %dma_wait3A_50 = tpu.memref_slice %arg12[%dma_wait3A_48, %dma_wait3A_49] : memref<256x64xf32, #tpu.memory_space<vmem>> -> memref<125x64xf32, #tpu.memory_space<vmem>>
        %dma_wait3A_51 = arith.constant 0 : i32
        %dma_wait3A_52 = tpu.memref_slice %arg21[%add3A_37, %dma_wait3A_51] : memref<10000x64xf32, #tpu.memory_space<vmem_shared>> -> memref<125x64xf32, #tpu.memory_space<vmem_shared>>
        %dma_wait3A_53 = arith.constant 0 : i32
        %dma_wait3A_54 = arith.constant 0 : i32
        %dma_wait3A_55 = tpu.memref_slice %arg12[%dma_wait3A_53, %dma_wait3A_54] : memref<256x64xf32, #tpu.memory_space<vmem>> -> memref<125x64xf32, #tpu.memory_space<vmem>>
        %dma_wait3A_56 = arith.constant 0 : i32
        %dma_wait3A_57 = tpu.memref_slice %arg21[%add3A_37, %dma_wait3A_56] : memref<10000x64xf32, #tpu.memory_space<vmem_shared>> -> memref<125x64xf32, #tpu.memory_space<vmem_shared>>
        tpu.wait_dma2 semaphore(%run_scoped3A : memref<!tpu.dma_semaphore, #tpu.memory_space<semaphore_mem>>) src(%dma_wait3A_57 : memref<125x64xf32, #tpu.memory_space<vmem_shared>>) dst(%dma_wait3A_55 : memref<125x64xf32, #tpu.memory_space<vmem>>)
        tpu.yield
      }) : () -> ()
      "tpu.region"() ({
        %run_scoped3A = tpu.sem_alloc : memref<!tpu.dma_semaphore, #tpu.memory_space<semaphore_mem>>
        %dma_start3A_38 = arith.constant 0 : i32
        %dma_start3A_39 = arith.constant 0 : i32
        %dma_start3A_40 = tpu.memref_slice %arg12[%dma_start3A_38, %dma_start3A_39] : memref<256x64xf32, #tpu.memory_space<vmem>> -> memref<125x64xf32, #tpu.memory_space<vmem>>
        %dma_start3A_41 = arith.constant 0 : i32
        %dma_start3A_42 = tpu.memref_slice %arg8[%arg0, %add3A_37, %dma_start3A_41] : memref<2x10000x64xf32, #tpu.memory_space<hbm>> -> memref<1x125x64xf32, #tpu.memory_space<hbm>>
        %dma_start3A_43 = tpu.memref_squeeze %dma_start3A_42 : memref<1x125x64xf32, #tpu.memory_space<hbm>> -> memref<125x64xf32, #tpu.memory_space<hbm>>
        %dma_start3A_44 = arith.constant 0 : i32
        %dma_start3A_45 = tpu.memref_slice %arg8[%arg0, %add3A_37, %dma_start3A_44] : memref<2x10000x64xf32, #tpu.memory_space<hbm>> -> memref<1x125x64xf32, #tpu.memory_space<hbm>>
        %dma_start3A_46 = tpu.memref_squeeze %dma_start3A_45 : memref<1x125x64xf32, #tpu.memory_space<hbm>> -> memref<125x64xf32, #tpu.memory_space<hbm>>
        %dma_start3A_47 = arith.constant 0 : i32
        %dma_start3A_48 = arith.constant 0 : i32
        %dma_start3A_49 = tpu.memref_slice %arg12[%dma_start3A_47, %dma_start3A_48] : memref<256x64xf32, #tpu.memory_space<vmem>> -> memref<125x64xf32, #tpu.memory_space<vmem>>
        tpu.enqueue_dma source(%dma_start3A_49 : memref<125x64xf32, #tpu.memory_space<vmem>>) target(%dma_start3A_46 : memref<125x64xf32, #tpu.memory_space<hbm>>) target_semaphore(%run_scoped3A : memref<!tpu.dma_semaphore, #tpu.memory_space<semaphore_mem>>)
        %dma_wait3A_50 = arith.constant 0 : i32
        %dma_wait3A_51 = arith.constant 0 : i32
        %dma_wait3A_52 = tpu.memref_slice %arg12[%dma_wait3A_50, %dma_wait3A_51] : memref<256x64xf32, #tpu.memory_space<vmem>> -> memref<125x64xf32, #tpu.memory_space<vmem>>
        %dma_wait3A_53 = arith.constant 0 : i32
        %dma_wait3A_54 = tpu.memref_slice %arg8[%arg0, %add3A_37, %dma_wait3A_53] : memref<2x10000x64xf32, #tpu.memory_space<hbm>> -> memref<1x125x64xf32, #tpu.memory_space<hbm>>
        %dma_wait3A_55 = tpu.memref_squeeze %dma_wait3A_54 : memref<1x125x64xf32, #tpu.memory_space<hbm>> -> memref<125x64xf32, #tpu.memory_space<hbm>>
        %dma_wait3A_56 = arith.constant 0 : i32
        %dma_wait3A_57 = tpu.memref_slice %arg8[%arg0, %add3A_37, %dma_wait3A_56] : memref<2x10000x64xf32, #tpu.memory_space<hbm>> -> memref<1x125x64xf32, #tpu.memory_space<hbm>>
        %dma_wait3A_58 = tpu.memref_squeeze %dma_wait3A_57 : memref<1x125x64xf32, #tpu.memory_space<hbm>> -> memref<125x64xf32, #tpu.memory_space<hbm>>
        %dma_wait3A_59 = arith.constant 0 : i32
        %dma_wait3A_60 = arith.constant 0 : i32
        %dma_wait3A_61 = tpu.memref_slice %arg12[%dma_wait3A_59, %dma_wait3A_60] : memref<256x64xf32, #tpu.memory_space<vmem>> -> memref<125x64xf32, #tpu.memory_space<vmem>>
        tpu.wait_dma2 semaphore(%run_scoped3A : memref<!tpu.dma_semaphore, #tpu.memory_space<semaphore_mem>>) src(%dma_wait3A_61 : memref<125x64xf32, #tpu.memory_space<vmem>>) dst(%dma_wait3A_58 : memref<125x64xf32, #tpu.memory_space<hbm>>)
        tpu.yield
      }) : () -> ()
      "tpu.region"() ({
        %run_scoped3A = tpu.sem_alloc : memref<!tpu.dma_semaphore, #tpu.memory_space<semaphore_mem>>
        %dma_start3A_38 = arith.constant 0 : i32
        %dma_start3A_39 = tpu.memref_slice %arg22[%add3A_37, %dma_start3A_38] : memref<10000x16xf32, #tpu.memory_space<vmem_shared>> -> memref<125x16xf32, #tpu.memory_space<vmem_shared>>
        %dma_start3A_40 = arith.constant 0 : i32
        %dma_start3A_41 = tpu.memref_slice %arg22[%add3A_37, %dma_start3A_40] : memref<10000x16xf32, #tpu.memory_space<vmem_shared>> -> memref<125x16xf32, #tpu.memory_space<vmem_shared>>
        tpu.enqueue_dma source(%dma_start3A_41 : memref<125x16xf32, #tpu.memory_space<vmem_shared>>) target(%arg20 : memref<125x16xf32, #tpu.memory_space<vmem>>) target_semaphore(%run_scoped3A : memref<!tpu.dma_semaphore, #tpu.memory_space<semaphore_mem>>)
        %dma_wait3A_42 = arith.constant 0 : i32
        %dma_wait3A_43 = tpu.memref_slice %arg22[%add3A_37, %dma_wait3A_42] : memref<10000x16xf32, #tpu.memory_space<vmem_shared>> -> memref<125x16xf32, #tpu.memory_space<vmem_shared>>
        %dma_wait3A_44 = arith.constant 0 : i32
        %dma_wait3A_45 = tpu.memref_slice %arg22[%add3A_37, %dma_wait3A_44] : memref<10000x16xf32, #tpu.memory_space<vmem_shared>> -> memref<125x16xf32, #tpu.memory_space<vmem_shared>>
        tpu.wait_dma2 semaphore(%run_scoped3A : memref<!tpu.dma_semaphore, #tpu.memory_space<semaphore_mem>>) src(%dma_wait3A_45 : memref<125x16xf32, #tpu.memory_space<vmem_shared>>) dst(%arg20 : memref<125x16xf32, #tpu.memory_space<vmem>>)
        tpu.yield
      }) : () -> ()
      "tpu.region"() ({
        %run_scoped3A = tpu.sem_alloc : memref<!tpu.dma_semaphore, #tpu.memory_space<semaphore_mem>>
        %dma_start3A_38 = arith.constant 0 : i32
        %dma_start3A_39 = tpu.memref_slice %arg9[%arg0, %add3A_37, %dma_start3A_38] : memref<2x10000x16xf32, #tpu.memory_space<hbm>> -> memref<1x125x16xf32, #tpu.memory_space<hbm>>
        %dma_start3A_40 = tpu.memref_squeeze %dma_start3A_39 : memref<1x125x16xf32, #tpu.memory_space<hbm>> -> memref<125x16xf32, #tpu.memory_space<hbm>>
        %dma_start3A_41 = arith.constant 0 : i32
        %dma_start3A_42 = tpu.memref_slice %arg9[%arg0, %add3A_37, %dma_start3A_41] : memref<2x10000x16xf32, #tpu.memory_space<hbm>> -> memref<1x125x16xf32, #tpu.memory_space<hbm>>
        %dma_start3A_43 = tpu.memref_squeeze %dma_start3A_42 : memref<1x125x16xf32, #tpu.memory_space<hbm>> -> memref<125x16xf32, #tpu.memory_space<hbm>>
        tpu.enqueue_dma source(%arg20 : memref<125x16xf32, #tpu.memory_space<vmem>>) target(%dma_start3A_43 : memref<125x16xf32, #tpu.memory_space<hbm>>) target_semaphore(%run_scoped3A : memref<!tpu.dma_semaphore, #tpu.memory_space<semaphore_mem>>)
        %dma_wait3A_44 = arith.constant 0 : i32
        %dma_wait3A_45 = tpu.memref_slice %arg9[%arg0, %add3A_37, %dma_wait3A_44] : memref<2x10000x16xf32, #tpu.memory_space<hbm>> -> memref<1x125x16xf32, #tpu.memory_space<hbm>>
        %dma_wait3A_46 = tpu.memref_squeeze %dma_wait3A_45 : memref<1x125x16xf32, #tpu.memory_space<hbm>> -> memref<125x16xf32, #tpu.memory_space<hbm>>
        %dma_wait3A_47 = arith.constant 0 : i32
        %dma_wait3A_48 = tpu.memref_slice %arg9[%arg0, %add3A_37, %dma_wait3A_47] : memref<2x10000x16xf32, #tpu.memory_space<hbm>> -> memref<1x125x16xf32, #tpu.memory_space<hbm>>
        %dma_wait3A_49 = tpu.memref_squeeze %dma_wait3A_48 : memref<1x125x16xf32, #tpu.memory_space<hbm>> -> memref<125x16xf32, #tpu.memory_space<hbm>>
        tpu.wait_dma2 semaphore(%run_scoped3A : memref<!tpu.dma_semaphore, #tpu.memory_space<semaphore_mem>>) src(%arg20 : memref<125x16xf32, #tpu.memory_space<vmem>>) dst(%dma_wait3A_49 : memref<125x16xf32, #tpu.memory_space<hbm>>)
        tpu.yield
      }) : () -> ()
    }
    %scan3A_27 = arith.constant 5 : i32
    return
  }
}

</mosaic_0001>

<sc_bundles>
// kernel: _sc_aggregate.3.cloned.1.call-start
scs
__scs_entry_jumppad:
0x0: {  	(pc) =	sbr.rel $0x88, $3  }
0x1: {  	(tag) =	ssettag $0x0;
	lr =	simm.s32 $0x1  }
0x2: {  	[smem:$0x3F9B] =	sst lr;
	_ =	strace $0xD0000000  }
0x3: {  	_ = 	snop  }
0x4: {  	_ = 	snop  }
0x5: {  	_ = 	snop  }
0x6: {  	_ = 	snop  }
0x7: {  	_ = 	snop  }
__scs_overlays_trampoline_lowered:
0x8: {  	[smem:$0x3FAA] =	sst s0  }
0x9: {  	[smem:$0x3FAB] =	sst s1  }
0xa: {  	[smem:$0x3FAC] =	sst s2  }
0xb: {  	[smem:$0x3FAD] =	sst s3  }
0xc: {  	[smem:$0x3FAE] =	sst s4  }
0xd: {  	[smem:$0x3FAF] =	sst s5  }
0xe: {  	[smem:$0x3FB0] =	sst s6  }
0xf: {  	[smem:$0x3FB1] =	sst s7  }
0x10: {  	[smem:$0x3FB2] =	sst s8  }
0x11: {  	[smem:$0x3FB3] =	sst s9;
	s0 =	simm.s32 @!p0 $0x0  }
0x12: {  	s1 =	sld [smem:$0x3F99];
	s0 =	simm.s32 @p0 $0x1  }
0x13: {  	[smem:$0x3FB4] =	sst s0;
	s0 =	simm.s32 @!p1 $0x0  }
0x14: {  	s2 =	sld [smem:$0x3F98];
	s0 =	simm.s32 @p1 $0x1  }
0x15: {  	[smem:$0x3FB5] =	sst s0;
	s0 =	simm.s32 @!p2 $0x0  }
0x16: {  	s3 =	sld [smem:$0x3FDB];
	s0 =	simm.s32 @p2 $0x1  }
0x17: {  	s4 =	simm.s32 $0x1BF5;
	[smem:$0x3FB7] =	sst s0  }
0x18: {  	s0 =	sld [smem:$0x3F9A];
	_ =	swait.ge [sflag:s4], $0x0  }
0x19: {  	s7 =	sld [smem:$0x3F9B]  }
0x1a: {  	s8 =	sadd.s32 $0xFFFFE003, lr  }
0x1b: {  	s9 =	sadd.s32 $0xFFFFFEF7, lr;
	s5 =	simm.s32 $0xFFFFFFFF;
	p2 =	slt.u32 s8, $0xFFFFF086  }
0x1c: {  	p1 =	slt.u32 s9, $0xF7A;
	s5 =	simm.s32 @!p2 $0x0  }
0x1d: {  	s5 =	simm.s32 @p1 $0x1;
	p0 =	seq.s32 s7, s2  }
0x1e: {  	s7 =	smul.u32 @!p0 $0xF7A, s2;
	p2 =	seq.s32 @!p0 s5, $0x0  }
0x1f: {  	s9 =	smul.u32 $0xF7A, s1;
	s8 =	simm.s32 @!p0 $0x1BF5;
	p2 =	por !p2, p0  }
0x20: {  	[sflag:s8] =	ssyncset.s32 @!p0 $0xFFFFF086;
	s6 =	sadd.s32 @!p0 s3, s7;
	s7 =	simm.s32 @!p0 $0x108  }
0x21: {  	s3 =	sadd.s32 s3, s9;
	s6 =	sadd.s32 @!p0 $0x88, s6;
	s7 =	simm.s32 @p2 $0x1082  }
0x22: {  	[simem:s7], [sflag:s8] =	dma.local @!p0 [hbm:s6], $0xF7A  }
0x23: {  	s9 =	sor.u32 $0xD0000000, s2;
	s6 =	simm.s32 $0x108;
	_ =	swait.ge @!p0 [sflag:s8], $0x0  }
0x24: {  	s3 =	sadd.s32 $0x88, s3;
	s6 =	simm.s32 @!p1 $0x1082;
	[sflag:s4] =	ssyncset.s32 $0xFFFFF086  }
0x25: {  	[simem:s6], [sflag:s4] =	dma.local [hbm:s3], $0xF7A  }
0x26: {  	[smem:$0x3F9B] =	sst s1;
	(tag) =	ssettag s2;
	_ =	strace s9  }
0x27: {  	s1 =	sld [smem:$0x3FAB]  }
0x28: {  	s2 =	sld [smem:$0x3FAC]  }
0x29: {  	s4 =	sld [smem:$0x3FAE]  }
0x2a: {  	p0 =	seq.s32 s5, $0x0;
	s5 =	sld [smem:$0x3FAF]  }
0x2b: {  	s6 =	sld [smem:$0x3FB0]  }
0x2c: {  	s7 =	sld [smem:$0x3FB1]  }
0x2d: {  	s3 =	simm.s32 $0x108;
	s8 =	sld [smem:$0x3FB2]  }
0x2e: {  	s3 =	simm.s32 @!p0 $0x1082;
	s9 =	sld [smem:$0x3FB3]  }
0x2f: {  	lr =	sadd.s32 s0, s3;
	s0 =	sld [smem:$0x3FAA]  }
0x30: {  	s3 =	sld [smem:$0x3FAD]  }
0x31: {  	[smem:$0x3FB6] =	sst s10  }
0x32: {  	s10 =	sld [smem:$0x3FB4];
	_ =	sdelay $0x3  }
0x33: {  	p0 =	seq.s32 s10, $0x1;
	s10 =	sld [smem:$0x3FB6];
	_ =	sdelay $0x3  }
0x34: {  	[smem:$0x3FB6] =	sst s10  }
0x35: {  	s10 =	sld [smem:$0x3FB5];
	_ =	sdelay $0x3  }
0x36: {  	p1 =	seq.s32 s10, $0x1;
	s10 =	sld [smem:$0x3FB6];
	_ =	sdelay $0x3  }
0x37: {  	[smem:$0x3FB6] =	sst s10  }
0x38: {  	s10 =	sld [smem:$0x3FB7]  }
0x39: {  	_ = 	snop;
	(pc) =	sbr.ind lr, $3  }
0x3a: {  	_ = 	snop  }
0x3b: {  	_ = 	snop  }
0x3c: {  	p2 =	seq.s32 s10, $0x1;
	s10 =	sld [smem:$0x3FB6]  }
0x3d: {  	_ =	shalt  }
0x3e: {  	_ =	shalt  }
0x3f: {  	_ =	shalt  }
0x40: {  	_ =	shalt  }
0x41: {  	_ =	shalt  }
0x42: {  	_ =	shalt  }
0x43: {  	_ =	shalt  }
0x44: {  	_ =	shalt  }
0x45: {  	_ =	shalt  }
0x46: {  	_ =	shalt  }
0x47: {  	_ =	shalt  }
0x48: {  	_ =	shalt  }
0x49: {  	_ =	shalt  }
0x4a: {  	_ =	shalt  }
0x4b: {  	_ =	shalt  }
0x4c: {  	_ =	shalt  }
0x4d: {  	_ =	shalt  }
0x4e: {  	_ =	shalt  }
0x4f: {  	_ =	shalt  }
0x50: {  	_ =	shalt  }
0x51: {  	_ =	shalt  }
0x52: {  	_ =	shalt  }
0x53: {  	_ =	shalt  }
0x54: {  	_ =	shalt  }
0x55: {  	_ =	shalt  }
0x56: {  	_ =	shalt  }
0x57: {  	_ =	shalt  }
0x58: {  	_ =	shalt  }
0x59: {  	_ =	shalt  }
0x5a: {  	_ =	shalt  }
0x5b: {  	_ =	shalt  }
0x5c: {  	_ =	shalt  }
0x5d: {  	_ =	shalt  }
0x5e: {  	_ =	shalt  }
0x5f: {  	_ =	shalt  }
0x60: {  	_ =	shalt  }
0x61: {  	_ =	shalt  }
0x62: {  	_ =	shalt  }
0x63: {  	_ =	shalt  }
0x64: {  	_ =	shalt  }
0x65: {  	_ =	shalt  }
0x66: {  	_ =	shalt  }
0x67: {  	_ =	shalt  }
0x68: {  	_ =	shalt  }
0x69: {  	_ =	shalt  }
0x6a: {  	_ =	shalt  }
0x6b: {  	_ =	shalt  }
0x6c: {  	_ =	shalt  }
0x6d: {  	_ =	shalt  }
0x6e: {  	_ =	shalt  }
0x6f: {  	_ =	shalt  }
0x70: {  	_ =	shalt  }
0x71: {  	_ =	shalt  }
0x72: {  	_ =	shalt  }
0x73: {  	_ =	shalt  }
0x74: {  	_ =	shalt  }
0x75: {  	_ =	shalt  }
0x76: {  	_ =	shalt  }
0x77: {  	_ =	shalt  }
0x78: {  	_ =	shalt  }
0x79: {  	_ =	shalt  }
0x7a: {  	_ =	shalt  }
0x7b: {  	_ =	shalt  }
0x7c: {  	_ =	shalt  }
0x7d: {  	_ =	shalt  }
0x7e: {  	_ =	shalt  }
0x7f: {  	_ =	shalt  }
0x80: {  	_ =	shalt  }
0x81: {  	_ =	shalt  }
0x82: {  	_ =	shalt  }
0x83: {  	_ =	shalt  }
0x84: {  	_ =	shalt  }
0x85: {  	_ =	shalt  }
0x86: {  	_ =	shalt  }
0x87: {  	_ =	shalt  }
.Lfunc_end0:
.L_simem_size_0:
called_computation_lowered:
.L_overlay_start_0:
0x88: {  	s2 =	sld [smem:$0x3FD9]  }
0x89: {  	s3 =	sld [smem:$0x3FFE];
	_ =	sdelay $0x1  }
0x8a: {  	s1 =	srdreg.scid  }
0x8b: {  	s0 =	sand.u32 $0x1, s1  }
0x8c: {  	s14 =	sshll.u32 s0, $0xA;
	s2 =	sadd.s32 s3, s2  }
0x8d: {  	s2 =	sadd.s32 s2, s14  }
0x8e: {  	[smem:$0x3FC2] =	sst s2  }
0x8f: {  	_ = 	snop  }
0x90: {  	s2 =	sld [smem:$0x3FD0];
	_ =	sdelay $0x1  }
0x91: {  	s15 =	sld [smem:$0x3FC8]  }
0x92: {  	s5 =	simm.s32 $0xA;
	s6 =	simm.s32 $0x10;
	s4 =	sld [smem:$0x3FC7]  }
0x93: {  	[smem:s6], [sflag:s5] =	dma.local [hbm:s2], $0x1  }
0x94: {  	_ =	swait.eq [sflag:s5], $0x1  }
0x95: {  	[sflag:s5] =	ssyncset.done $0x0  }
0x96: {  	s16 =	sld [smem:$0x10];
	[sflag:s5] =	ssyncadd.s32 $0xFFFFFFFF  }
0x97: {  	s17 =	sld [smem:$0x11];
	(tm) =	ssettm $0x1  }
0x98: {  	s18 =	sld [smem:$0x3FFB];
	_ =	sdelay $0x3  }
0x99: {  	_ =	strace s18  }
0x9a: {  	s6 =	sld [smem:$0x3FFC];
	_ =	sdelay $0x3  }
0x9b: {  	_ =	strace s6  }
0x9c: {  	s6 =	sld [smem:$0x3FFD];
	_ =	sdelay $0x3  }
0x9d: {  	_ =	strace s6  }
0x9e: {  	_ =	strace $0x8FFFFFFF  }
0x9f: {  	s19 =	sld [smem:$0x3FDB];
	_ =	sdelay $0x1  }
0xa0: {  	s7 =	simm.s32 $_scs_section_size  }
0xa1: {  	s8 =	simm.s32 $_size__tile_overlayer_lowered;
	s9 =	simm.s32 $_tile_overlayer_lowered  }
0xa2: {  	s22 =	simm.s32 $0x1BFF;
	s21 =	sshll.u32 s9, $0x1;
	s6 =	sadd.s32 s7, s19  }
0xa3: {  	s10 =	simm.s32 $0x0;
	s20 =	sshll.u32 s8, $0x1;
	s8 =	sadd.s32 s21, s6  }
0xa4: {  	[timem:s10], [sflag:s22] =	dma.local [hbm:s8], s20  }
0xa5: {  	_ =	swait.ge [sflag:s22], s20  }
0xa6: {  	s7 =	ssub.s32 $0x0, s20;
	[sflag:s22] =	ssyncset.done $0x0  }
0xa7: {  	[sflag:s22] =	ssyncadd.s32 s7;
	_ =	sdelay $0x1  }
0xa8: {  	s23 =	simm.s32 $0x1B8B  }
0xa9: {  	_ =	swait.ge [sflag:s23], $0x1  }
0xaa: {  	[sflag:s23] =	ssyncset.done $0x0  }
0xab: {  	s25 =	simm.s32 $0x1B8E;
	s24 =	sld [smem:$0x3FFE];
	[sflag:s23] =	ssyncadd.s32 $0xFFFFFFFF  }
0xac: {  	s26 =	simm.s32 $execute0_lowered;
	[smem:$0x3FD2] =	sst s25  }
0xad: {  	s8 =	sshll.u32 s26, $0x1;
	_ =	strace $0x80000046;
	[dreg:$0x1] =	wrdreg $0xFFFFFFFF  }
0xae: {  	s28 =	simm.s32 $_size_execute0_lowered;
	s6 =	sadd.s32 s6, s8;
	[dreg:$0x0] =	wrdreg $0x0  }
0xaf: {  	s8 =	sshll.u32 s28, $0x1;
	[dreg:$0x2] =	wrdreg s6  }
0xb0: {  	[dreg:$0x3] =	wrdreg s8  }
0xb1: {  	[dreg:$0x4] =	wrdreg $0xC0  }
0xb2: {  	_ =	task [dreg:s10], $0x5FFFF  }
0xb3: {  	[dreg:$0x1] =	wrdreg $0xFFFFFFFF  }
0xb4: {  	[dreg:$0x0] =	wrdreg $0x60  }
0xb5: {  	[dreg:$0x2] =	wrdreg s16  }
0xb6: {  	[dreg:$0x3] =	wrdreg s15  }
0xb7: {  	[dreg:$0x4] =	wrdreg s4  }
0xb8: {  	[dreg:$0x5] =	wrdreg s24  }
0xb9: {  	[dreg:$0x6] =	wrdreg s17  }
0xba: {  	[dreg:$0x7] =	wrdreg $0xA4100  }
0xbb: {  	[dreg:$0x8] =	wrdreg $0x140500  }
0xbc: {  	[dreg:$0x9] =	wrdreg $0x9  }
0xbd: {  	_ =	task.clear_ibuf [dreg:s10], $0xAFFFF;
	_ =	strace $0x90000046  }
0xbe: {  	s29 =	simm.s32 $0x9;
	_ =	strace $0x80000048  }
0xbf: {  	_ =	swait.ge [sflag:s29], $0x1  }
0xc0: {  	[sflag:s29] =	ssyncadd.s32 $0xFFFFFFFF  }
0xc1: {  	_ =	strace $0x90000048  }
0xc2: {  	_ =	sfence  }
0xc3: {  	s30 =	sld [smem:$0x0];
	_ =	sdelay $0x2  }
0xc4: {  	s31 =	sshll.u32 s1, $0xD;
	s1 =	sshrl.u32 s1, $0x2  }
0xc5: {  	s3 =	sand.u32 $0x4000, s31;
	s1 =	sadd.s32 s1, s30  }
0xc6: {  	s0 =	sor.u32 s3, s0;
	s1 =	sshll.u32 s1, $0x11  }
0xc7: {  	s0 =	sor.u32 s1, s0  }
0xc8: {  	s0 =	sadd.s32 $0x8F2B, s0  }
0xc9: {  	[sflag:s0] =	ssyncadd.remote.s32 $0x1  }
0xca: {  	_ =	sfence.sel $0xFFFF  }
0xcb: {  	[dreg:$0x0] =	wrdreg $0xFFFFFFFF;
	(pc) =	sbr.abs _section_cstart, $3  }
0xcc: {  	[dreg:$0x1] =	wrdreg $0xFFFFFFFF  }
0xcd: {  	_ =	task.clear_ibuf [dreg:s10], $0x2FFFF;
	_ =	strace $0x9FFFFFFF  }
0xce: {  	(tm) =	ssettm $0x7FFFFFFF  }
0xcf: {  	_ =	shalt  }
tec
execute0_lowered:
.L_overlay_start_1:
0x0: {  	(tag) =	ssettag $0x1  }
0x1: {  	s0 =	rddreg [dreg:$0x0]  }
0x2: {  	s1 =	rddreg [dreg:$0x3]  }
0x3: {  	s11 =	rddreg [dreg:$0x4];
	s23 =	stileid.u32  }
0x4: {  	s2 =	simm.s32 $0x0;
	s3 =	srdreg.scid;
	s8 =	smul.u32 $0x271, s23  }
0x5: {  	s28 =	simm.s32 $0x2;
	s6 =	sand.u32 $0x1, s3;
	s17 =	smul.u32 $0x9C40, s23  }
0x6: {  	s30 =	simm.s32 $0x3;
	[smem:$0x7FF] =	sst s2;
	s12 =	smul.u32 $0x9C400, s6  }
0x7: {  	s10 =	sadd.s32 $0x1200, s1;
	s3 =	ssub.s32 $0x2, s6;
	s13 =	smul.u32 $0x27100, s6  }
0x8: {  	p0 =	seq.s32 s6, $0x1;
	p1 =	seq.s32 s6, $0x0;
	v0 =	vmov s6;
	s6 =	simm.s32 $0x20  }
0x9: {  	s4 =	sshrl.u32 s3, $0x1;
	s14 =	sadd.s32 $0x7D, s8;
	s15 =	sadd.s32 $0xFA, s8  }
0xa: {  	s16 =	sadd.s32 $0x177, s8;
	s19 =	sadd.s32 $0x1F4, s8;
	s9 =	ssub.s32 s3, s4  }
0xb: {  	s5 =	sshll.u32 s14, $0x6;
	s3 =	smul.u32 $0x2710, s23;
	s7 =	sshll.u32 s15, $0x6  }
0xc: {  	s4 =	sshll.u32 s16, $0x6;
	s18 =	sadd.s32 s12, s17;
	s8 =	sshll.u32 s19, $0x6  }
0xd: {  	s19 =	sshll.u32 s19, $0x4;
	s18 =	sshrl.u32 s18, $0x3;
	s24 =	sadd.s32 s12, s5  }
0xe: {  	s21 =	sadd.s32 s12, s7;
	s9 =	smax.u32 s9, $0x1;
	s20 =	sadd.s32 s13, s3  }
0xf: {  	s18 =	sadd.s32 s10, s18;
	s25 =	sshrl.u32 s24, $0x3;
	s24 =	sadd.s32 s12, s4  }
0x10: {  	s12 =	sadd.s32 s12, s8;
	[dreg:$0x8] =	wrdreg s18;
	s22 =	sshrl.u32 s20, $0x3  }
0x11: {  	s20 =	sshll.u32 s14, $0x4;
	s14 =	sadd.s32 s10, s25;
	s25 =	sshrl.u32 s24, $0x3  }
0x12: {  	s18 =	sadd.s32 s11, s22;
	[dreg:$0xa] =	wrdreg s14;
	s22 =	sshrl.u32 s21, $0x3  }
0x13: {  	s21 =	sshll.u32 s15, $0x4;
	s15 =	sadd.s32 s10, s25;
	[dreg:$0x9] =	wrdreg s18  }
0x14: {  	s12 =	sshrl.u32 s12, $0x3;
	s18 =	sadd.s32 s10, s22;
	[dreg:$0xc] =	wrdreg s15  }
0x15: {  	s24 =	sadd.s32 $0xA00, s1;
	s10 =	sadd.s32 s10, s12;
	[dreg:$0xb] =	wrdreg s18  }
0x16: {  	s26 =	sadd.s32 s13, s20;
	s25 =	sadd.s32 $0xE00, s1;
	[dreg:$0xd] =	wrdreg s10  }
0x17: {  	s14 =	sshrl.u32 s26, $0x3;
	s26 =	sadd.s32 s13, s21;
	s10 =	rddreg [dreg:$0x1]  }
0x18: {  	s15 =	sadd.s32 s11, s14;
	s18 =	sshrl.u32 s26, $0x3;
	s14 =	rddreg [dreg:$0x5]  }
0x19: {  	[dreg:$0xe] =	wrdreg s15;
	s12 =	sadd.s32 s11, s18;
	s18 =	sshll.u32 s16, $0x4  }
0x1a: {  	s1 =	sadd.s32 $0x1000, s1;
	s15 =	rddreg [dreg:$0x6];
	s22 =	sadd.s32 s13, s18  }
0x1b: {  	[dreg:$0xf] =	wrdreg s12;
	s13 =	sadd.s32 s13, s19;
	s22 =	sshrl.u32 s22, $0x3  }
0x1c: {  	s12 =	rddreg [dreg:$0x2];
	s13 =	sshrl.u32 s13, $0x3;
	s22 =	sadd.s32 s11, s22  }
0x1d: {  	s16 =	smul.u32 $0x4E20, s23;
	s11 =	sadd.s32 s11, s13;
	[dreg:$0x10] =	wrdreg s22  }
0x1e: {  	s29 =	sadd.s32 s5, s14;
	s31 =	sadd.s32 s7, s14;
	[dreg:$0x11] =	wrdreg s11  }
0x1f: {  	s3 =	sadd.s32 s3, s15;
	_ =	strace $0x80000047;
	[dreg:$0x12] =	wrdreg s24  }
0x20: {  	s26 =	sshrl.u32 s16, $0x3;
	s13 =	sshrl.u32 s7, $0x2;
	[dreg:$0x13] =	wrdreg s25  }
0x21: {  	s7 =	simm.s32 $0x8440;
	s11 =	sadd.s32 $0x9C0, s26;
	[dreg:$0x14] =	wrdreg s1  }
0x22: {  	s22 =	smul.u32 $0x27100, s23;
	s26 =	sshrl.u32 s17, $0x2;
	[dreg:$0x18] =	wrdreg s9  }
0x23: {  	s23 =	sadd.s32 s10, s11;
	s1 =	sadd.s32 s12, s11;
	[dreg:$0x1f] =	wrdreg s3  }
0x24: {  	s25 =	sadd.s32 s17, s14;
	s9 =	sadd.s32 s26, s15;
	[dreg:$0x15] =	wrdreg s23  }
0x25: {  	s11 =	sshrl.u32 s5, $0x2;
	s17 =	sadd.s32 s13, s15;
	[dreg:$0x16] =	wrdreg s1  }
0x26: {  	s26 =	sadd.s32 s19, s15;
	s19 =	simm.s32 $0x9C40;
	[dreg:$0x17] =	wrdreg s25  }
0x27: {  	s13 =	simm.s32 $0x4;
	s24 =	sshrl.u32 s22, $0x2;
	[dreg:$0x1a] =	wrdreg s9  }
0x28: {  	[dreg:$0x1c] =	wrdreg s17;
	s22 =	sshrl.u32 s8, $0x2;
	s23 =	sadd.s32 s20, s15  }
0x29: {  	s25 =	sadd.s32 s18, s15;
	[smem:$0x7FD] =	sst s26;
	s17 =	simm.s32 $0x200  }
0x2a: {  	s18 =	simm.s32 $0x6;
	s20 =	simm.s32 $0x8C40;
	s26 =	simm.s32 $0x1  }
0x2b: {  	s1 =	sadd.s32 s24, s14;
	s5 =	sadd.s32 s22, s15;
	[smem:$0x7FA] =	sst s23  }
0x2c: {  	s24 =	sadd.s32 s21, s15;
	[smem:$0x7FC] =	sst s25;
	s21 =	simm.s32 $0x100  }
0x2d: {  	s22 =	simm.s32 $0x4200;
	s23 =	simm.s32 $0x4300;
	[dreg:$0x19] =	wrdreg s1  }
0x2e: {  	s25 =	simm.s32 $0x5;
	s1 =	sadd.s32 s11, s15;
	[dreg:$0x1e] =	wrdreg s5  }
0x2f: {  	[dreg:$0x1b] =	wrdreg s1;
	s1 =	sadd.s32 s4, s14;
	s4 =	sshrl.u32 s4, $0x2  }
0x30: {  	[smem:$0x7FB] =	sst s24;
	s24 =	simm.s32 $0x4400;
	s4 =	sadd.s32 s4, s15  }
0x31: {  	[dreg:$0x1d] =	wrdreg s4;
	s4 =	sadd.s32 s8, s14;
	s8 =	simm.s32 $0x0  }
.LBB2_1:
0x32: {  	s3 =	rddreg [dreg:$0x12]  }
0x33: {  	[tilespmem:s17], [sflag:$0x6] =	stream.linear.gather [hbm4b:s3+s2], $0x1F40, $0x38;
	[tilespmem:$0x16760] =	vst v63  }
0x34: {  	_ =	swait.ge [sflag:s18], $0x1F40  }
0x35: {  	[sflag:s18] =	ssyncset.done $0x0  }
0x36: {  	s9 =	rddreg [dreg:$0x13];
	[sflag:s18] =	ssyncadd.s32 $0xFFFFE0C0  }
0x37: {  	[tilespmem:s19], [sflag:$0x6] =	stream.linear.gather [hbm4b:s9+s2], $0x7D0, $0x38;
	[tilespmem:$0x16760] =	vst v63  }
0x38: {  	_ =	swait.ge [sflag:s18], $0x7D0  }
0x39: {  	[sflag:s18] =	ssyncset.done $0x0  }
0x3a: {  	s11 =	rddreg [dreg:$0x14];
	[sflag:s18] =	ssyncadd.s32 $0xFFFFF830  }
0x3b: {  	[tilespmem:s20], [sflag:$0x6] =	stream.linear.gather [hbm4b:s11+s2], $0x1000, $0x38;
	[tilespmem:$0x16760] =	vst v63  }
0x3c: {  	_ =	swait.ge [sflag:s18], $0x1000  }
0x3d: {  	[sflag:s18] =	ssyncset.done $0x0  }
0x3e: {  	s5 =	rddreg [dreg:$0x19];
	[sflag:s18] =	ssyncadd.s32 $0xFFFFF000  }
0x3f: {  	[spmem:s5] =	stream.linear.scatter [tilespmem:s17], [sflag:$0x6], $0x1F40, $0x38;
	[tilespmem:$0x16760] =	vst v63  }
0x40: {  	_ =	swait.ge [sflag:s18], $0x1F40  }
0x41: {  	[sflag:s18] =	ssyncset.done $0x0  }
0x42: {  	s9 =	rddreg [dreg:$0x1a];
	[sflag:s18] =	ssyncadd.s32 $0xFFFFE0C0  }
0x43: {  	[spmem:s9] =	stream.linear.scatter [tilespmem:s19], [sflag:$0x6], $0x7D0, $0x38;
	[tilespmem:$0x16760] =	vst v63  }
0x44: {  	_ =	swait.ge [sflag:s18], $0x7D0  }
0x45: {  	[sflag:s18] =	ssyncset.done $0x0  }
0x46: {  	[sflag:s18] =	ssyncadd.s32 $0xFFFFF830  }
0x47: {  	[spmem:s29] =	stream.linear.scatter [tilespmem:s17], [sflag:$0x6], $0x1F40, $0x38;
	[tilespmem:$0x16760] =	vst v63  }
0x48: {  	_ =	swait.ge [sflag:s18], $0x1F40  }
0x49: {  	[sflag:s18] =	ssyncset.done $0x0  }
0x4a: {  	s11 =	rddreg [dreg:$0x1b];
	[sflag:s18] =	ssyncadd.s32 $0xFFFFE0C0  }
0x4b: {  	[spmem:s11] =	stream.linear.scatter [tilespmem:s19], [sflag:$0x6], $0x7D0, $0x38;
	[tilespmem:$0x16760] =	vst v63  }
0x4c: {  	_ =	swait.ge [sflag:s18], $0x7D0  }
0x4d: {  	[sflag:s18] =	ssyncset.done $0x0  }
0x4e: {  	[sflag:s18] =	ssyncadd.s32 $0xFFFFF830  }
0x4f: {  	[spmem:s31] =	stream.linear.scatter [tilespmem:s17], [sflag:$0x6], $0x1F40, $0x38;
	[tilespmem:$0x16760] =	vst v63  }
0x50: {  	_ =	swait.ge [sflag:s18], $0x1F40  }
0x51: {  	[sflag:s18] =	ssyncset.done $0x0  }
0x52: {  	s5 =	rddreg [dreg:$0x1c];
	[sflag:s18] =	ssyncadd.s32 $0xFFFFE0C0  }
0x53: {  	[spmem:s5] =	stream.linear.scatter [tilespmem:s19], [sflag:$0x6], $0x7D0, $0x38;
	[tilespmem:$0x16760] =	vst v63  }
0x54: {  	_ =	swait.ge [sflag:s18], $0x7D0  }
0x55: {  	[sflag:s18] =	ssyncset.done $0x0  }
0x56: {  	[sflag:s18] =	ssyncadd.s32 $0xFFFFF830  }
0x57: {  	[spmem:s1] =	stream.linear.scatter [tilespmem:s17], [sflag:$0x6], $0x1F40, $0x38;
	[tilespmem:$0x16760] =	vst v63  }
0x58: {  	_ =	swait.ge [sflag:s18], $0x1F40  }
0x59: {  	[sflag:s18] =	ssyncset.done $0x0  }
0x5a: {  	s9 =	rddreg [dreg:$0x1d];
	[sflag:s18] =	ssyncadd.s32 $0xFFFFE0C0  }
0x5b: {  	[spmem:s9] =	stream.linear.scatter [tilespmem:s19], [sflag:$0x6], $0x7D0, $0x38;
	[tilespmem:$0x16760] =	vst v63  }
0x5c: {  	_ =	swait.ge [sflag:s18], $0x7D0  }
0x5d: {  	[sflag:s18] =	ssyncset.done $0x0  }
0x5e: {  	[sflag:s18] =	ssyncadd.s32 $0xFFFFF830  }
0x5f: {  	[spmem:s4] =	stream.linear.scatter [tilespmem:s17], [sflag:$0x6], $0x1F40, $0x38;
	[tilespmem:$0x16760] =	vst v63  }
0x60: {  	_ =	swait.ge [sflag:s18], $0x1F40  }
0x61: {  	[sflag:s18] =	ssyncset.done $0x0  }
0x62: {  	s11 =	rddreg [dreg:$0x1e];
	[sflag:s18] =	ssyncadd.s32 $0xFFFFE0C0  }
0x63: {  	[spmem:s11] =	stream.linear.scatter [tilespmem:s19], [sflag:$0x6], $0x7D0, $0x38;
	[tilespmem:$0x16760] =	vst v63  }
0x64: {  	_ =	swait.ge [sflag:s18], $0x7D0  }
0x65: {  	[sflag:s18] =	ssyncset.done $0x0  }
0x66: {  	[sflag:s18] =	ssyncadd.s32 $0xFFFFF830  }
0x67: {  	s9 =	simm.s32 $0x0;
	[bflag:$0x0] =	sbarrier.arrive $0xFFFF  }
.LBB2_2:
0x68: {  	s3 =	sshll.u32 s9, $0x9  }
0x69: {  	s3 =	sadd.s32 s16, s3  }
0x6a: {  	s3 =	sshrl.u32 s3, $0x3  }
0x6b: {  	s5 =	simm.s32 $0x0;
	s11 =	sadd.s32 s10, s3  }
0x6c: {  	[tilespmem:s5], [sflag:$0x6] =	stream.linear.gather [hbm4b:s11+s5], $0x100, $0x38;
	[tilespmem:$0x16760] =	vst v63  }
0x6d: {  	_ =	swait.ge [sflag:s18], $0x100  }
0x6e: {  	[sflag:s18] =	ssyncset.done $0x0  }
0x6f: {  	s11 =	sadd.s32 s12, s3;
	[sflag:s18] =	ssyncadd.s32 $0xFFFFFF00  }
0x70: {  	[tilespmem:s21], [sflag:$0x6] =	stream.linear.gather [hbm4b:s11+s5], $0x100, $0x38;
	[tilespmem:$0x16760] =	vst v63  }
0x71: {  	_ =	swait.ge [sflag:s18], $0x100  }
0x72: {  	s3 =	sadd.s32 $0x20, s3;
	[sflag:s18] =	ssyncset.done $0x0  }
0x73: {  	s11 =	sadd.s32 s10, s3;
	[sflag:s18] =	ssyncadd.s32 $0xFFFFFF00  }
0x74: {  	[tilespmem:s22], [sflag:$0x6] =	stream.linear.gather [hbm4b:s11+s5], $0x100, $0x38;
	[tilespmem:$0x16760] =	vst v63  }
0x75: {  	_ =	swait.ge [sflag:s18], $0x100  }
0x76: {  	[sflag:s18] =	ssyncset.done $0x0  }
0x77: {  	s3 =	sadd.s32 s12, s3;
	[sflag:s18] =	ssyncadd.s32 $0xFFFFFF00  }
0x78: {  	[tilespmem:s23], [sflag:$0x6] =	stream.linear.gather [hbm4b:s3+s5], $0x100, $0x38;
	[tilespmem:$0x16760] =	vst v63  }
0x79: {  	_ =	swait.ge [sflag:s18], $0x100  }
0x7a: {  	[sflag:s18] =	ssyncset.done $0x0  }
0x7b: {  	s11 =	simm.s32 $0x0;
	[sflag:s18] =	ssyncadd.s32 $0xFFFFFF00  }
0x7c: {  	s3 =	simm.s32 $0x40;
	v1 =	vld [tilespmem:s11+$0x0]  }
.LBB2_3:
0x7d: {  	p2 =	sne.s32 s3, $0x3C0;
	v2 =	vld [tilespmem:s11+$0x4200];
	_ =	sdelay $0x2  }
.Ltmp0:
0x7e: {  	(pc) =	sbr.rel @p2 .LBB2_3-.Ltmp0, $4  }
0x7f: {  	v1 =	vshll.u32 v1, $0x1  }
0x80: {  	v1 =	vor.u32 v0, v1;
	v2 =	vshll.u32 v2, $0x1  }
0x81: {  	s5 =	sshra.s32 s3, $0x2;
	[tilespmem:s11+$0x0] =	vst v1;
	v2 =	vor.u32 v0, v2  }
0x82: {  	s3 =	sadd.s32 $0x40, s3;
	v1 =	vld [tilespmem:s5+$0x0];
	[tilespmem:s11+$0x4200] =	vst v2;
	s11 =	smov.u32 s5  }
0x83: {  	v2 =	vld [tilespmem:s11+$0x4200];
	_ =	sdelay $0x3  }
0x84: {  	v1 =	vshll.u32 v1, $0x1  }
0x85: {  	v1 =	vor.u32 v0, v1;
	v2 =	vshll.u32 v2, $0x1  }
0x86: {  	p2 =	slt.u32 s9, $0x14;
	p3 =	sgt.u32 s9, $0x13;
	[tilespmem:s11+$0x0] =	vst v1;
	v1 =	vor.u32 v0, v2  }
0x87: {  	p2 =	por !p1, !p2;
	p3 =	por !p3, !p0;
	[tilespmem:s11+$0x4200] =	vst v1  }
0x88: {  	[tilespmem:s17], [sflag:$0x1] =	stream.indirect.gather [hbm4b:s0+s21], $0x40, s2, s21, $0xb8;
	[tilespmem:$0x16760] =	vst v63  }
0x89: {  	p2 =	por !p2, !p2;
	p3 =	por !p3, !p3  }
0x8a: {  	[tilespmem:s24], [sflag:$0x2] =	stream.indirect.gather [hbm4b:s0+s21], $0x40, s22, s21, $0xb8;
	[tilespmem:$0x16760] =	vst v63  }
0x8b: {  	p2 =	por p2, p3  }
0x8c: {  	[spmem:s15] =	stream.indirect.scatter.add.f32 @p2 [tilespmem:s20], [sflag:$0x5], $0x10, s21, s21, $0xb8;
	[tilespmem:$0x16760] =	vst v63  }
0x8d: {  	_ =	swait.ge @p2 [sflag:s25], $0x1000  }
0x8e: {  	[sflag:s25] =	ssyncset.done @p2 $0x0  }
0x8f: {  	[sflag:s25] =	ssyncadd.s32 @p2 $0xFFFFF000  }
0x90: {  	[spmem:s15] =	stream.indirect.scatter.add.f32 @p2 [tilespmem:s20], [sflag:$0x5], $0x10, s23, s21, $0xb8;
	[tilespmem:$0x16760] =	vst v63  }
0x91: {  	_ =	swait.ge @p2 [sflag:s25], $0x1000  }
0x92: {  	[sflag:s25] =	ssyncset.done @p2 $0x0  }
0x93: {  	[sflag:s25] =	ssyncadd.s32 @p2 $0xFFFFF000  }
0x94: {  	_ =	swait.ge [sflag:s26], $0x4000  }
0x95: {  	[sflag:s26] =	ssyncset.done $0x0  }
0x96: {  	[sflag:s26] =	ssyncadd.s32 $0xFFFFC000  }
0x97: {  	[spmem:s14] =	stream.indirect.scatter.add.f32 [tilespmem:s17], [sflag:$0x3], $0x40, s21, s21, $0xb8;
	[tilespmem:$0x16760] =	vst v63  }
0x98: {  	_ =	swait.ge [sflag:s28], $0x4000  }
0x99: {  	[sflag:s28] =	ssyncset.done $0x0  }
0x9a: {  	s9 =	sadd.s32 $0x1, s9;
	[sflag:s28] =	ssyncadd.s32 $0xFFFFC000  }
0x9b: {  	[spmem:s14] =	stream.indirect.scatter.add.f32 [tilespmem:s24], [sflag:$0x4], $0x40, s23, s21, $0xb8;
	[tilespmem:$0x16760] =	vst v63  }
0x9c: {  	p2 =	sne.s32 s9, $0x27;
	_ =	swait.ge [sflag:s30], $0x4000  }
.Ltmp1:
0x9d: {  	[sflag:s30] =	ssyncset.done $0x0;
	(pc) =	sbr.rel @p2 .LBB2_2-.Ltmp1, $4  }
0x9e: {  	[sflag:s30] =	ssyncadd.s32 $0xFFFFC000  }
0x9f: {  	_ =	swait.ge [sflag:s13], $0x4000  }
0xa0: {  	[sflag:s13] =	ssyncset.done $0x0  }
0xa1: {  	[sflag:s13] =	ssyncadd.s32 $0xFFFFC000  }
0xa2: {  	s3 =	rddreg [dreg:$0x15];
	s5 =	simm.s32 $0x8400  }
0xa3: {  	[tilespmem:s5], [sflag:$0x6] =	stream.linear.gather [hbm4b:s3+s2], $0x20, $0x38;
	[tilespmem:$0x16760] =	vst v63  }
0xa4: {  	_ =	swait.ge [sflag:s18], $0x20  }
0xa5: {  	[sflag:s18] =	ssyncset.done $0x0  }
0xa6: {  	s9 =	simm.s32 $0x8420;
	s11 =	rddreg [dreg:$0x16];
	[sflag:s18] =	ssyncadd.s32 $0xFFFFFFE0  }
0xa7: {  	[tilespmem:s9], [sflag:$0x6] =	stream.linear.gather [hbm4b:s11+s2], $0x20, $0x38;
	[tilespmem:$0x16760] =	vst v63  }
0xa8: {  	_ =	swait.ge [sflag:s18], $0x20  }
0xa9: {  	[sflag:s18] =	ssyncset.done $0x0  }
0xaa: {  	[sflag:s18] =	ssyncadd.s32 $0xFFFFFFE0  }
0xab: {  	v1 =	vld [tilespmem:$0x8400]  }
0xac: {  	v2 =	vld [tilespmem:$0x8410];
	_ =	sdelay $0x3  }
0xad: {  	v1 =	vshll.u32 v1, $0x1  }
0xae: {  	v2 =	vshll.u32 v2, $0x1;
	v1 =	vor.u32 v0, v1  }
0xaf: {  	[tilespmem:$0x8400] =	vst v1;
	v1 =	vor.u32 v0, v2  }
0xb0: {  	[tilespmem:$0x8410] =	vst v1  }
0xb1: {  	[tilespmem:s7], [sflag:$0x1] =	stream.indirect.gather [hbm4b:s0+s6], $0x40, s5, s6, $0xb8;
	[tilespmem:$0x16760] =	vst v63  }
0xb2: {  	_ =	swait.ge [sflag:s26], $0x800  }
0xb3: {  	[sflag:s26] =	ssyncset.done $0x0  }
0xb4: {  	[sflag:s26] =	ssyncadd.s32 $0xFFFFF800  }
0xb5: {  	[spmem:s14] =	stream.indirect.scatter.add.f32 [tilespmem:s7], [sflag:$0x6], $0x40, s9, s6, $0xb8;
	[tilespmem:$0x16760] =	vst v63  }
0xb6: {  	_ =	swait.ge [sflag:s18], $0x800  }
0xb7: {  	s3 =	simm.s32 @!p1 $0x20;
	[sflag:s18] =	ssyncset.done $0x0  }
0xb8: {  	s5 =	simm.s32 @!p1 $0x8420;
	s9 =	simm.s32 @!p1 $0x8C40;
	[sflag:s18] =	ssyncadd.s32 $0xFFFFF800  }
0xb9: {  	[spmem:s15] =	stream.indirect.scatter.add.f32 @!p1 [tilespmem:s9], [sflag:$0x6], $0x10, s5, s3, $0xb8;
	[tilespmem:$0x16760] =	vst v63  }
0xba: {  	s3 =	simm.s32 @!p1 $0x6  }
0xbb: {  	_ =	swait.ge @!p1 [sflag:s3], $0x200  }
0xbc: {  	[sflag:s3] =	ssyncset.done @!p1 $0x0  }
0xbd: {  	[sflag:s3] =	ssyncadd.s32 @!p1 $0xFFFFFE00  }
0xbe: {  	[bflag:$0x0] =	sbarrier.arrive $0xFFFF  }
0xbf: {  	s9 =	rddreg [dreg:$0x17]  }
0xc0: {  	[tilespmem:s17], [sflag:$0x6] =	stream.linear.gather [spmem:s9], $0x1F40, $0x38;
	[tilespmem:$0x16760] =	vst v63  }
0xc1: {  	_ =	swait.ge [sflag:s18], $0x1F40  }
0xc2: {  	[sflag:s18] =	ssyncset.done $0x0  }
0xc3: {  	s11 =	rddreg [dreg:$0x8];
	[sflag:s18] =	ssyncadd.s32 $0xFFFFE0C0  }
0xc4: {  	[hbm4b:s11+s2] =	stream.linear.scatter [tilespmem:s17], [sflag:$0x6], $0x1F40, $0x38;
	[tilespmem:$0x16760] =	vst v63  }
0xc5: {  	_ =	swait.ge [sflag:s18], $0x1F40  }
0xc6: {  	[sflag:s18] =	ssyncset.done $0x0  }
0xc7: {  	s5 =	rddreg [dreg:$0x1f];
	[sflag:s18] =	ssyncadd.s32 $0xFFFFE0C0  }
0xc8: {  	[tilespmem:s19], [sflag:$0x6] =	stream.linear.gather [spmem:s5], $0x7D0, $0x38;
	[tilespmem:$0x16760] =	vst v63  }
0xc9: {  	_ =	swait.ge [sflag:s18], $0x7D0  }
0xca: {  	[sflag:s18] =	ssyncset.done $0x0  }
0xcb: {  	s9 =	rddreg [dreg:$0x9];
	[sflag:s18] =	ssyncadd.s32 $0xFFFFF830  }
0xcc: {  	[hbm4b:s9+s2] =	stream.linear.scatter [tilespmem:s19], [sflag:$0x6], $0x7D0, $0x38;
	[tilespmem:$0x16760] =	vst v63  }
0xcd: {  	_ =	swait.ge [sflag:s18], $0x7D0  }
0xce: {  	[sflag:s18] =	ssyncset.done $0x0  }
0xcf: {  	[sflag:s18] =	ssyncadd.s32 $0xFFFFF830  }
0xd0: {  	[tilespmem:s17], [sflag:$0x6] =	stream.linear.gather [spmem:s29], $0x1F40, $0x38;
	[tilespmem:$0x16760] =	vst v63  }
0xd1: {  	_ =	swait.ge [sflag:s18], $0x1F40  }
0xd2: {  	[sflag:s18] =	ssyncset.done $0x0  }
0xd3: {  	s11 =	rddreg [dreg:$0xa];
	[sflag:s18] =	ssyncadd.s32 $0xFFFFE0C0  }
0xd4: {  	[hbm4b:s11+s2] =	stream.linear.scatter [tilespmem:s17], [sflag:$0x6], $0x1F40, $0x38;
	[tilespmem:$0x16760] =	vst v63  }
0xd5: {  	_ =	swait.ge [sflag:s18], $0x1F40  }
0xd6: {  	s5 =	sld [smem:$0x7FA]  }
0xd7: {  	[sflag:s18] =	ssyncset.done $0x0  }
0xd8: {  	[sflag:s18] =	ssyncadd.s32 $0xFFFFE0C0  }
0xd9: {  	[tilespmem:s19], [sflag:$0x6] =	stream.linear.gather [spmem:s5], $0x7D0, $0x38;
	[tilespmem:$0x16760] =	vst v63  }
0xda: {  	_ =	swait.ge [sflag:s18], $0x7D0  }
0xdb: {  	[sflag:s18] =	ssyncset.done $0x0  }
0xdc: {  	s9 =	rddreg [dreg:$0xe];
	[sflag:s18] =	ssyncadd.s32 $0xFFFFF830  }
0xdd: {  	[hbm4b:s9+s2] =	stream.linear.scatter [tilespmem:s19], [sflag:$0x6], $0x7D0, $0x38;
	[tilespmem:$0x16760] =	vst v63  }
0xde: {  	_ =	swait.ge [sflag:s18], $0x7D0  }
0xdf: {  	[sflag:s18] =	ssyncset.done $0x0  }
0xe0: {  	[sflag:s18] =	ssyncadd.s32 $0xFFFFF830  }
0xe1: {  	[tilespmem:s17], [sflag:$0x6] =	stream.linear.gather [spmem:s31], $0x1F40, $0x38;
	[tilespmem:$0x16760] =	vst v63  }
0xe2: {  	_ =	swait.ge [sflag:s18], $0x1F40  }
0xe3: {  	[sflag:s18] =	ssyncset.done $0x0  }
0xe4: {  	s11 =	rddreg [dreg:$0xb];
	[sflag:s18] =	ssyncadd.s32 $0xFFFFE0C0  }
0xe5: {  	[hbm4b:s11+s2] =	stream.linear.scatter [tilespmem:s17], [sflag:$0x6], $0x1F40, $0x38;
	[tilespmem:$0x16760] =	vst v63  }
0xe6: {  	_ =	swait.ge [sflag:s18], $0x1F40  }
0xe7: {  	s5 =	sld [smem:$0x7FB]  }
0xe8: {  	[sflag:s18] =	ssyncset.done $0x0  }
0xe9: {  	[sflag:s18] =	ssyncadd.s32 $0xFFFFE0C0  }
0xea: {  	[tilespmem:s19], [sflag:$0x6] =	stream.linear.gather [spmem:s5], $0x7D0, $0x38;
	[tilespmem:$0x16760] =	vst v63  }
0xeb: {  	_ =	swait.ge [sflag:s18], $0x7D0  }
0xec: {  	[sflag:s18] =	ssyncset.done $0x0  }
0xed: {  	s9 =	rddreg [dreg:$0xf];
	[sflag:s18] =	ssyncadd.s32 $0xFFFFF830  }
0xee: {  	[hbm4b:s9+s2] =	stream.linear.scatter [tilespmem:s19], [sflag:$0x6], $0x7D0, $0x38;
	[tilespmem:$0x16760] =	vst v63  }
0xef: {  	_ =	swait.ge [sflag:s18], $0x7D0  }
0xf0: {  	[sflag:s18] =	ssyncset.done $0x0  }
0xf1: {  	[sflag:s18] =	ssyncadd.s32 $0xFFFFF830  }
0xf2: {  	[tilespmem:s17], [sflag:$0x6] =	stream.linear.gather [spmem:s1], $0x1F40, $0x38;
	[tilespmem:$0x16760] =	vst v63  }
0xf3: {  	_ =	swait.ge [sflag:s18], $0x1F40  }
0xf4: {  	[sflag:s18] =	ssyncset.done $0x0  }
0xf5: {  	s11 =	rddreg [dreg:$0xc];
	[sflag:s18] =	ssyncadd.s32 $0xFFFFE0C0  }
0xf6: {  	[hbm4b:s11+s2] =	stream.linear.scatter [tilespmem:s17], [sflag:$0x6], $0x1F40, $0x38;
	[tilespmem:$0x16760] =	vst v63  }
0xf7: {  	_ =	swait.ge [sflag:s18], $0x1F40  }
0xf8: {  	s5 =	sld [smem:$0x7FC]  }
0xf9: {  	[sflag:s18] =	ssyncset.done $0x0  }
0xfa: {  	[sflag:s18] =	ssyncadd.s32 $0xFFFFE0C0  }
0xfb: {  	[tilespmem:s19], [sflag:$0x6] =	stream.linear.gather [spmem:s5], $0x7D0, $0x38;
	[tilespmem:$0x16760] =	vst v63  }
0xfc: {  	_ =	swait.ge [sflag:s18], $0x7D0  }
0xfd: {  	[sflag:s18] =	ssyncset.done $0x0  }
0xfe: {  	s9 =	rddreg [dreg:$0x10];
	[sflag:s18] =	ssyncadd.s32 $0xFFFFF830  }
0xff: {  	[hbm4b:s9+s2] =	stream.linear.scatter [tilespmem:s19], [sflag:$0x6], $0x7D0, $0x38;
	[tilespmem:$0x16760] =	vst v63  }
0x100: {  	_ =	swait.ge [sflag:s18], $0x7D0  }
0x101: {  	[sflag:s18] =	ssyncset.done $0x0  }
0x102: {  	[sflag:s18] =	ssyncadd.s32 $0xFFFFF830  }
0x103: {  	[tilespmem:s17], [sflag:$0x6] =	stream.linear.gather [spmem:s4], $0x1F40, $0x38;
	[tilespmem:$0x16760] =	vst v63  }
0x104: {  	_ =	swait.ge [sflag:s18], $0x1F40  }
0x105: {  	[sflag:s18] =	ssyncset.done $0x0  }
0x106: {  	s11 =	rddreg [dreg:$0xd];
	[sflag:s18] =	ssyncadd.s32 $0xFFFFE0C0  }
0x107: {  	[hbm4b:s11+s2] =	stream.linear.scatter [tilespmem:s17], [sflag:$0x6], $0x1F40, $0x38;
	[tilespmem:$0x16760] =	vst v63  }
0x108: {  	_ =	swait.ge [sflag:s18], $0x1F40  }
0x109: {  	s5 =	sld [smem:$0x7FD]  }
0x10a: {  	[sflag:s18] =	ssyncset.done $0x0  }
0x10b: {  	[sflag:s18] =	ssyncadd.s32 $0xFFFFE0C0  }
0x10c: {  	[tilespmem:s19], [sflag:$0x6] =	stream.linear.gather [spmem:s5], $0x7D0, $0x38;
	[tilespmem:$0x16760] =	vst v63  }
0x10d: {  	_ =	swait.ge [sflag:s18], $0x7D0  }
0x10e: {  	[sflag:s18] =	ssyncset.done $0x0  }
0x10f: {  	s9 =	rddreg [dreg:$0x11];
	[sflag:s18] =	ssyncadd.s32 $0xFFFFF830  }
0x110: {  	[hbm4b:s9+s2] =	stream.linear.scatter [tilespmem:s19], [sflag:$0x6], $0x7D0, $0x38;
	[tilespmem:$0x16760] =	vst v63  }
0x111: {  	_ =	swait.ge [sflag:s18], $0x7D0  }
0x112: {  	s8 =	sadd.s32 $0x1, s8;
	s11 =	rddreg [dreg:$0x18]  }
0x113: {  	p2 =	sne.s32 s8, s11  }
.Ltmp2:
0x114: {  	_ = 	snop;
	(pc) =	sbr.rel @p2 .LBB2_1-.Ltmp2, $3  }
0x115: {  	_ =	sdelay $0x1  }
0x116: {  	[sflag:s18] =	ssyncset.done $0x0  }
0x117: {  	[sflag:s18] =	ssyncadd.s32 $0xFFFFF830  }
0x118: {  	_ =	sfence.sel $0x180000  }
0x119: {  	[bflag:$0x0] =	sbarrier.arrive $0xFFFF  }
0x11a: {  	_ =	strace $0x90000047  }
0x11b: {  	s0 =	stileid.u32;
	[bflag:$0x2] =	sbarrier.arrive $0xFFFF  }
0x11c: {  	p0 =	sne.s32 s0, $0x0;
	s0 =	rddreg [dreg:$0x7]  }
0x11d: {  	s0 =	sadd.s32 @!p0 $0x100000, s0  }
0x11e: {  	[sflag:s0] =	ssyncadd.tile.s32 @!p0 $0x1;
	_ =	shalt  }
.Lfunc_end2:
_tile_overlayer_lowered:
.L_overlay_start_2:
0x11f: {  	(tag) =	ssettag $0x2  }
0x120: {  	s0 =	rddreg [dreg:$0x0];
	s2 =	stileid.u32  }
0x121: {  	s1 =	rddreg [dreg:$0x1];
	p0 =	sne.s32 s2, $0x0  }
0x122: {  	s3 =	rddreg [dreg:$0x2];
	[bflag:$0x3] =	sbarrier.arrive $0xFFFF;
	s2 =	simm.s32 @!p0 $0x1C06  }
0x123: {  	[timem:s3], [sflag:s2] =	dma.local @!p0 [hbm:s0], s1  }
0x124: {  	s0 =	simm.s32 @!p0 $0x6  }
0x125: {  	_ =	swait.ge @!p0 [sflag:s0], s1  }
0x126: {  	s1 =	ssub.s32 @!p0 $0x0, s1;
	[sflag:s0] =	ssyncset.done @!p0 $0x0  }
0x127: {  	[sflag:s0] =	ssyncadd.s32 @!p0 s1  }
0x128: {  	[bflag:$0x3] =	sbarrier.arrive $0xFFFF  }
0x129: {  	_ =	shalt  }

</sc_bundles>
